<compile_context>
chip_gen: v7x
topology: tpu7x:2x2x1
jax: 0.10.2.dev20260603
libtpu: 0.0.44.dev20260713+nightly
codegen_flags: <defaults>
</compile_context>

<pallas_src>
import functools

import jax
import jax.numpy as jnp
from jax import lax
from jax.experimental import pallas as pl
from jax.experimental.pallas import tpu as pltpu
from jax.experimental.pallas import tpu_sc as plsc

N_NODES = 10000
N_EDGES = 320000
D = 128
N_GRAPHS = 64

NC = 2
NS = 16
NW = NC * NS
CHUNK = 128
NCH = 80
NBUF = 4
E_PAD = NW * NCH * CHUNK
NPAD = 10112
RPT = NPAD // NS


def _sems(n):
    return [pltpu.SemaphoreType.DMA] * n


NIB = 4


@functools.cache
def _deg_kernel():
    mesh = plsc.VectorSubcoreMesh(core_axis_name="c", subcore_axis_name="s")
    return functools.partial(
        pl.kernel,
        out_type=[jax.ShapeDtypeStruct((NPAD, D), jnp.float32),
                  jax.ShapeDtypeStruct((NPAD, D), jnp.float32)],
        mesh=mesh,
        scratch_types=(
            [pltpu.VMEM((2, CHUNK), jnp.int32)] * NIB
            + [pltpu.VMEM((CHUNK, D), jnp.float32)]
            + [pltpu.VMEM_SHARED((NPAD, D), jnp.float32)]
            + _sems(NIB + 2)
        ),
    )(_deg_body)


def _deg_body(idx_hbm, zeros_hbm, ones_hbm, outa_hbm, outb_hbm,
              x0, x1, x2, x3, ones_v, acc_sh,
              i0, i1, i2, i3, s0, s1):
    c = lax.axis_index("c")
    s = lax.axis_index("s")
    idxb = (x0, x1, x2, x3)
    isem = (i0, i1, i2, i3)
    ssem = (s0, s1)
    pltpu.sync_copy(ones_hbm, ones_v)
    pltpu.sync_copy(zeros_hbm.at[pl.ds(s * RPT, RPT)],
                    acc_sh.at[pl.ds(s * RPT, RPT)])
    plsc.subcore_barrier()

    base = (c * NS + s) * NCH

    def issue_idx(p, bi):
        pltpu.async_copy(idx_hbm.at[base + p], idxb[bi], isem[bi])

    def wait_idx(bi):
        pltpu.make_async_copy(idx_hbm.at[base], idxb[bi], isem[bi]).wait()

    def issue_scatter(bi, b):
        pltpu.async_copy(ones_v, acc_sh.at[idxb[bi].at[1]], ssem[b], add=True)

    def wait_scatter(bi, b):
        pltpu.make_async_copy(ones_v, acc_sh.at[idxb[bi].at[1]],
                              ssem[b]).wait()

    issue_idx(0, 0)
    issue_idx(1, 1)

    def group(j, carry):
        for b in range(NIB):
            cch = j * NIB + b
            bi2 = (b + 2) % NIB
            par = b % 2

            @pl.when(cch >= 2)
            def _():
                wait_scatter(bi2, par)

            @pl.when(cch + 2 < NCH)
            def _():
                issue_idx(cch + 2, bi2)

            wait_idx(b)
            issue_scatter(b, par)
        return carry

    lax.fori_loop(0, NCH // NIB, group, 0)
    wait_scatter((NCH - 2) % NIB, 0)
    wait_scatter((NCH - 1) % NIB, 1)

    plsc.subcore_barrier()

    @pl.when(c == 0)
    def _():
        pltpu.sync_copy(acc_sh.at[pl.ds(s * RPT, RPT)],
                        outa_hbm.at[pl.ds(s * RPT, RPT)])

    @pl.when(c == 1)
    def _():
        pltpu.sync_copy(acc_sh.at[pl.ds(s * RPT, RPT)],
                        outb_hbm.at[pl.ds(s * RPT, RPT)])


@functools.cache
def _scatter_kernel():
    mesh = plsc.VectorSubcoreMesh(core_axis_name="c", subcore_axis_name="s")
    return functools.partial(
        pl.kernel,
        out_type=[jax.ShapeDtypeStruct((NPAD, D), jnp.float32),
                  jax.ShapeDtypeStruct((NPAD, D), jnp.float32)],
        mesh=mesh,
        scratch_types=(
            [pltpu.VMEM((CHUNK,), jnp.int32)] * 2
            + [pltpu.VMEM((CHUNK, D), jnp.float32)]
            + [pltpu.VMEM_SHARED((NPAD, D), jnp.float32)]
            + _sems(1)
        ),
    )(_scatter_body)


def _scatter_body(y_hbm, src_hbm, dst_hbm, zeros_hbm, outa_hbm, outb_hbm,
                  src_v, dst_v, gbuf, acc_sh, gsem):
    c = lax.axis_index("c")
    s = lax.axis_index("s")
    pltpu.sync_copy(zeros_hbm.at[pl.ds(s * RPT, RPT)],
                    acc_sh.at[pl.ds(s * RPT, RPT)])
    plsc.subcore_barrier()

    base = (c * NS + s) * NCH * CHUNK

    def group(j, carry):
        e0 = base + j * CHUNK
        pltpu.sync_copy(src_hbm.at[pl.ds(e0, CHUNK)], src_v)
        pltpu.sync_copy(dst_hbm.at[pl.ds(e0, CHUNK)], dst_v)
        pltpu.async_copy(y_hbm.at[src_v], gbuf, gsem).wait()
        pltpu.sync_copy(gbuf, acc_sh.at[dst_v], add=True)
        return carry

    lax.fori_loop(0, NCH, group, 0)

    plsc.subcore_barrier()

    @pl.when(c == 0)
    def _():
        pltpu.sync_copy(acc_sh.at[pl.ds(s * RPT, RPT)],
                        outa_hbm.at[pl.ds(s * RPT, RPT)])

    @pl.when(c == 1)
    def _():
        pltpu.sync_copy(acc_sh.at[pl.ds(s * RPT, RPT)],
                        outb_hbm.at[pl.ds(s * RPT, RPT)])



BLK = 200
GRID = N_NODES // BLK


def _p1_body(x_ref, d0_ref, d1_ref, w1_ref, y1_ref, dinv_ref):
    deg = d0_ref[:, 0:1] + d1_ref[:, 0:1] + 1.0
    dinv = lax.rsqrt(deg)
    xw = jnp.dot(x_ref[...], w1_ref[...], preferred_element_type=jnp.float32)
    y1_ref[...] = dinv * xw
    dinv_ref[...] = jnp.broadcast_to(dinv, (BLK, D))


def _p3_body(z0_ref, z1_ref, y1_ref, dinv_ref, b1_ref, w2_ref, y2_ref):
    h = dinv_ref[...] * (z0_ref[...] + z1_ref[...] + y1_ref[...]) + b1_ref[...]
    h = jnp.maximum(h, 0.0)
    y2_ref[...] = dinv_ref[...] * jnp.dot(
        h, w2_ref[...], preferred_element_type=jnp.float32)


def _p5_body(z0_ref, z1_ref, y2_ref, dinv_ref, b2_ref, bb_ref, wfc_ref,
             bfc_ref, out_ref, sums_sc, cnts_sc):
    i = pl.program_id(0)

    @pl.when(i == 0)
    def _():
        sums_sc[...] = jnp.zeros_like(sums_sc)
        cnts_sc[...] = jnp.zeros_like(cnts_sc)

    h = dinv_ref[...] * (z0_ref[...] + z1_ref[...] + y2_ref[...]) + b2_ref[...]
    h = jnp.maximum(h, 0.0)
    gid = lax.broadcasted_iota(jnp.int32, (BLK, N_GRAPHS), 1).astype(jnp.float32)
    p = (bb_ref[...] == gid).astype(jnp.float32)
    dn = (((0,), (0,)), ((), ()))
    sums_sc[...] += lax.dot_general(p, h, dn, preferred_element_type=jnp.float32)
    cnts_sc[...] += lax.dot_general(p, jnp.ones((BLK, D), jnp.float32), dn,
                                    preferred_element_type=jnp.float32)

    @pl.when(i == GRID - 1)
    def _():
        pooled = sums_sc[...] / jnp.maximum(cnts_sc[...], 1.0)
        o = jnp.dot(pooled, wfc_ref[...],
                    preferred_element_type=jnp.float32) + bfc_ref[...]
        out_ref[...] = jnp.maximum(o, 0.0)


def _row_spec():
    return pl.BlockSpec((BLK, D), lambda i: (i, 0))


def _phase1(x, d0, d1, w1):
    return pl.pallas_call(
        _p1_body,
        grid=(GRID,),
        in_specs=[
            _row_spec(),
            _row_spec(),
            _row_spec(),
            pl.BlockSpec((D, D), lambda i: (0, 0)),
        ],
        out_specs=[_row_spec(), _row_spec()],
        out_shape=[jax.ShapeDtypeStruct((N_NODES, D), jnp.float32),
                   jax.ShapeDtypeStruct((N_NODES, D), jnp.float32)],
    )(x, d0, d1, w1)


def _phase3(z0, z1, y1, dinv_b, b1, w2):
    return pl.pallas_call(
        _p3_body,
        grid=(GRID,),
        in_specs=[
            _row_spec(), _row_spec(), _row_spec(), _row_spec(),
            pl.BlockSpec((1, D), lambda i: (0, 0)),
            pl.BlockSpec((D, D), lambda i: (0, 0)),
        ],
        out_specs=_row_spec(),
        out_shape=jax.ShapeDtypeStruct((N_NODES, D), jnp.float32),
    )(z0, z1, y1, dinv_b, b1, w2)


def _phase5(z0, z1, y2, dinv_b, b2, batchb, wfc, bfc):
    return pl.pallas_call(
        _p5_body,
        grid=(GRID,),
        in_specs=[
            _row_spec(), _row_spec(), _row_spec(), _row_spec(),
            pl.BlockSpec((1, D), lambda i: (0, 0)),
            pl.BlockSpec((BLK, N_GRAPHS), lambda i: (i, 0)),
            pl.BlockSpec((D, D), lambda i: (0, 0)),
            pl.BlockSpec((1, D), lambda i: (0, 0)),
        ],
        out_specs=pl.BlockSpec((N_GRAPHS, D), lambda i: (0, 0)),
        out_shape=jax.ShapeDtypeStruct((N_GRAPHS, D), jnp.float32),
        scratch_shapes=[pltpu.VMEM((N_GRAPHS, D), jnp.float32),
                        pltpu.VMEM((N_GRAPHS, D), jnp.float32)],
    )(z0, z1, y2, dinv_b, b2, batchb, wfc, bfc)



def kernel(x, edge_index, batch, W1, b1, W2, b2, Wfc, bfc):
    src = edge_index[0].astype(jnp.int32)
    dst = edge_index[1].astype(jnp.int32)
    npad_e = E_PAD - N_EDGES
    src_p = jnp.concatenate([src, jnp.zeros((npad_e,), jnp.int32)])
    dst_p = jnp.concatenate([dst, jnp.full((npad_e,), N_NODES, jnp.int32)])
    packed = jnp.stack([src_p.reshape(-1, CHUNK), dst_p.reshape(-1, CHUNK)],
                       axis=1)
    batchb = jnp.broadcast_to(
        batch.astype(jnp.float32)[:, None], (N_NODES, N_GRAPHS))
    zeros_d = jnp.zeros((NPAD, D), jnp.float32)
    ones_d = jnp.ones((CHUNK, D), jnp.float32)

    deg_a, deg_b = _deg_kernel()(packed, zeros_d, ones_d)
    y1, dinv_b = _phase1(x, deg_a, deg_b, W1)
    z1a, z1b = _scatter_kernel()(y1, src_p, dst_p, zeros_d)
    y2 = _phase3(z1a, z1b, y1, dinv_b, b1.reshape(1, D), W2)
    z2a, z2b = _scatter_kernel()(y2, src_p, dst_p, zeros_d)
    return _phase5(z2a, z2b, y2, dinv_b, b2.reshape(1, D), batchb,
                   Wfc, bfc.reshape(1, D))

# --- scband reference (transcript-rebuilt; emitter-appended) ---
"""Pipeline reference for scband-gcn-26096221290966 (READ-ONLY COPY).

The authoritative reference and input builder live on the scoring server;
editing this copy changes nothing except your own understanding.
"""

import jax, jax.numpy as jnp
import numpy as np

N_NODES = 10000
N_EDGES = 320000
D_IN = 128
D_HID = 128
D_OUT = 128
N_GRAPHS = 64


def setup_inputs(seed: int = 0) -> dict:
    key = jax.random.key(seed)
    k1, k2, k3, k4, k5, k6, k7, k8, k9 = jax.random.split(key, 9)
    x = jax.random.normal(k1, (N_NODES, D_IN), dtype=jnp.float32)
    edge_index = jax.random.randint(k2, (2, N_EDGES), 0, N_NODES, dtype=jnp.int64)
    batch = jnp.sort(jax.random.randint(k3, (N_NODES,), 0, N_GRAPHS, dtype=jnp.int64))
    s1 = 1.0 / np.sqrt(D_IN)
    s2 = 1.0 / np.sqrt(D_HID)
    s3 = 1.0 / np.sqrt(D_OUT)
    W1 = jax.random.uniform(k4, (D_IN, D_HID), jnp.float32, -s1, s1)
    b1 = jax.random.uniform(k5, (D_HID,), jnp.float32, -s1, s1)
    W2 = jax.random.uniform(k6, (D_HID, D_OUT), jnp.float32, -s2, s2)
    b2 = jax.random.uniform(k7, (D_OUT,), jnp.float32, -s2, s2)
    Wfc = jax.random.uniform(k8, (D_OUT, D_OUT), jnp.float32, -s3, s3)
    bfc = jax.random.uniform(k9, (D_OUT,), jnp.float32, -s3, s3)
    return {"x": x, "edge_index": edge_index, "batch": batch,
            "W1": W1, "b1": b1, "W2": W2, "b2": b2, "Wfc": Wfc, "bfc": bfc}


def _gcn_conv(x, W, b, src, dst, n_nodes):
    # GCNConv (Kipf & Welling): add self-loops, symmetric normalization,
    # linear transform, sum aggregation from src -> dst.
    loop = jnp.arange(n_nodes, dtype=src.dtype)
    src_sl = jnp.concatenate([src, loop])
    dst_sl = jnp.concatenate([dst, loop])
    xw = x @ W
    deg = jnp.zeros((n_nodes,), dtype=x.dtype).at[dst_sl].add(1.0)
    dinv = jnp.where(deg > 0, deg ** -0.5, 0.0)
    norm = dinv[src_sl] * dinv[dst_sl]
    msgs = norm[:, None] * jnp.take(xw, src_sl, axis=0)
    out = jax.ops.segment_sum(msgs, dst_sl, num_segments=n_nodes)
    return out + b


def reference(x, edge_index, batch, W1, b1, W2, b2, Wfc, bfc):
    src = edge_index[0]
    dst = edge_index[1]
    h = _gcn_conv(x, W1, b1, src, dst, N_NODES)
    h = jax.nn.relu(h)
    h = _gcn_conv(h, W2, b2, src, dst, N_NODES)
    h = jax.nn.relu(h)
    # global_mean_pool over batch assignment
    sums = jax.ops.segment_sum(h, batch, num_segments=N_GRAPHS)
    counts = jax.ops.segment_sum(jnp.ones((N_NODES,), dtype=h.dtype), batch, num_segments=N_GRAPHS)
    pooled = sums / jnp.maximum(counts, 1.0)[:, None]
    out = pooled @ Wfc + bfc
    return jax.nn.relu(out)

if __name__ == "__main__":
    import jax
    _d = setup_inputs()
    print(jax.jit(kernel)(*tuple(_d.values())))

</pallas_src>

<mosaic_0001>
#map = affine_map<(d0, d1) -> (0, 0)>
#map1 = affine_map<(d0, d1) -> (0)>
module attributes {stable_mosaic.version = 14 : i64} {
  func.func @_scatter_body(%arg0: i32, %arg1: i32, %arg2: memref<10000x128xf32, #tpu.memory_space<hbm>>, %arg3: memref<327680xi32, #tpu.memory_space<hbm>>, %arg4: memref<327680xi32, #tpu.memory_space<hbm>>, %arg5: memref<10112x128xf32, #tpu.memory_space<hbm>>, %arg6: memref<10112x128xf32, #tpu.memory_space<hbm>>, %arg7: memref<10112x128xf32, #tpu.memory_space<hbm>>, %arg8: memref<128xi32, #tpu.memory_space<vmem>>, %arg9: memref<128xi32, #tpu.memory_space<vmem>>, %arg10: memref<128x128xf32, #tpu.memory_space<vmem>>, %arg11: memref<10112x128xf32, #tpu.memory_space<vmem_shared>>, %arg12: memref<!tpu.dma_semaphore, #tpu.memory_space<semaphore_mem>>) attributes {dimension_semantics = [#tpu.dimension_semantics<core_parallel>, #tpu.dimension_semantics<subcore_parallel>], iteration_bounds = array<i64: 2, 16>, scalar_prefetch = 0 : i64, scratch_operands = 5 : i64, tpu.core_type = #tpu.core_type<sc_vector_subcore>, window_params = [{transform_indices = #map}, {transform_indices = #map1}, {transform_indices = #map1}, {transform_indices = #map}, {transform_indices = #map}, {transform_indices = #map}]} {
    %mul3A = arith.constant 632 : i32
    %mul3A_0 = arith.muli %arg1, %mul3A : i32
    %mul3A_1 = arith.constant 632 : i32
    %mul3A_2 = arith.muli %arg1, %mul3A_1 : i32
    "tpu.region"() ({
      %run_scoped3A = tpu.sem_alloc : memref<!tpu.dma_semaphore, #tpu.memory_space<semaphore_mem>>
      %dma_start3A = arith.constant 0 : i32
      %dma_start3A_22 = tpu.memref_slice %arg11[%mul3A_2, %dma_start3A] : memref<10112x128xf32, #tpu.memory_space<vmem_shared>> -> memref<632x128xf32, #tpu.memory_space<vmem_shared>>
      %dma_start3A_23 = arith.constant 0 : i32
      %dma_start3A_24 = tpu.memref_slice %arg5[%mul3A_0, %dma_start3A_23] : memref<10112x128xf32, #tpu.memory_space<hbm>> -> memref<632x128xf32, #tpu.memory_space<hbm>>
      tpu.enqueue_dma source(%dma_start3A_24 : memref<632x128xf32, #tpu.memory_space<hbm>>) target(%dma_start3A_22 : memref<632x128xf32, #tpu.memory_space<vmem_shared>>) target_semaphore(%run_scoped3A : memref<!tpu.dma_semaphore, #tpu.memory_space<semaphore_mem>>)
      %dma_wait3A = arith.constant 0 : i32
      %dma_wait3A_25 = tpu.memref_slice %arg11[%mul3A_2, %dma_wait3A] : memref<10112x128xf32, #tpu.memory_space<vmem_shared>> -> memref<632x128xf32, #tpu.memory_space<vmem_shared>>
      %dma_wait3A_26 = arith.constant 0 : i32
      %dma_wait3A_27 = tpu.memref_slice %arg5[%mul3A_0, %dma_wait3A_26] : memref<10112x128xf32, #tpu.memory_space<hbm>> -> memref<632x128xf32, #tpu.memory_space<hbm>>
      tpu.wait_dma2 semaphore(%run_scoped3A : memref<!tpu.dma_semaphore, #tpu.memory_space<semaphore_mem>>) src(%dma_wait3A_27 : memref<632x128xf32, #tpu.memory_space<hbm>>) dst(%dma_wait3A_25 : memref<632x128xf32, #tpu.memory_space<vmem_shared>>)
      tpu.yield
    }) : () -> ()
    %barrier3A = arith.constant 0 : index
    tpu.barrier barrier_id(%barrier3A)
    %mul3A_3 = arith.constant 16 : i32
    %mul3A_4 = arith.muli %arg0, %mul3A_3 : i32
    %add3A = arith.addi %mul3A_4, %arg1 : i32
    %mul3A_5 = arith.constant 80 : i32
    %mul3A_6 = arith.muli %add3A, %mul3A_5 : i32
    %mul3A_7 = arith.constant 128 : i32
    %mul3A_8 = arith.muli %mul3A_6, %mul3A_7 : i32
    %scan3A = arith.constant 0 : i32
    %scan3A_9 = arith.constant 0 : i32
    %scan3A_10 = arith.constant 80 : i32
    %scan3A_11 = arith.addi %scan3A_9, %scan3A_10 : i32
    %scan3A_12 = arith.constant 1 : i32
    scf.for %scan3A_22 = %scan3A_9 to %scan3A_11 step %scan3A_12  : i32 {
      %mul3A_23 = arith.constant 128 : i32
      %mul3A_24 = arith.muli %scan3A_22, %mul3A_23 : i32
      %add3A_25 = arith.addi %mul3A_8, %mul3A_24 : i32
      "tpu.region"() ({
        %run_scoped3A = tpu.sem_alloc : memref<!tpu.dma_semaphore, #tpu.memory_space<semaphore_mem>>
        %dma_start3A_30 = tpu.memref_slice %arg3[%add3A_25] : memref<327680xi32, #tpu.memory_space<hbm>> -> memref<128xi32, #tpu.memory_space<hbm>>
        %dma_start3A_31 = tpu.memref_slice %arg3[%add3A_25] : memref<327680xi32, #tpu.memory_space<hbm>> -> memref<128xi32, #tpu.memory_space<hbm>>
        tpu.enqueue_dma source(%dma_start3A_31 : memref<128xi32, #tpu.memory_space<hbm>>) target(%arg8 : memref<128xi32, #tpu.memory_space<vmem>>) target_semaphore(%run_scoped3A : memref<!tpu.dma_semaphore, #tpu.memory_space<semaphore_mem>>)
        %dma_wait3A_32 = tpu.memref_slice %arg3[%add3A_25] : memref<327680xi32, #tpu.memory_space<hbm>> -> memref<128xi32, #tpu.memory_space<hbm>>
        %dma_wait3A_33 = tpu.memref_slice %arg3[%add3A_25] : memref<327680xi32, #tpu.memory_space<hbm>> -> memref<128xi32, #tpu.memory_space<hbm>>
        tpu.wait_dma2 semaphore(%run_scoped3A : memref<!tpu.dma_semaphore, #tpu.memory_space<semaphore_mem>>) src(%dma_wait3A_33 : memref<128xi32, #tpu.memory_space<hbm>>) dst(%arg8 : memref<128xi32, #tpu.memory_space<vmem>>)
        tpu.yield
      }) : () -> ()
      "tpu.region"() ({
        %run_scoped3A = tpu.sem_alloc : memref<!tpu.dma_semaphore, #tpu.memory_space<semaphore_mem>>
        %dma_start3A_30 = tpu.memref_slice %arg4[%add3A_25] : memref<327680xi32, #tpu.memory_space<hbm>> -> memref<128xi32, #tpu.memory_space<hbm>>
        %dma_start3A_31 = tpu.memref_slice %arg4[%add3A_25] : memref<327680xi32, #tpu.memory_space<hbm>> -> memref<128xi32, #tpu.memory_space<hbm>>
        tpu.enqueue_dma source(%dma_start3A_31 : memref<128xi32, #tpu.memory_space<hbm>>) target(%arg9 : memref<128xi32, #tpu.memory_space<vmem>>) target_semaphore(%run_scoped3A : memref<!tpu.dma_semaphore, #tpu.memory_space<semaphore_mem>>)
        %dma_wait3A_32 = tpu.memref_slice %arg4[%add3A_25] : memref<327680xi32, #tpu.memory_space<hbm>> -> memref<128xi32, #tpu.memory_space<hbm>>
        %dma_wait3A_33 = tpu.memref_slice %arg4[%add3A_25] : memref<327680xi32, #tpu.memory_space<hbm>> -> memref<128xi32, #tpu.memory_space<hbm>>
        tpu.wait_dma2 semaphore(%run_scoped3A : memref<!tpu.dma_semaphore, #tpu.memory_space<semaphore_mem>>) src(%dma_wait3A_33 : memref<128xi32, #tpu.memory_space<hbm>>) dst(%arg9 : memref<128xi32, #tpu.memory_space<vmem>>)
        tpu.yield
      }) : () -> ()
      %dma_start3A = arith.constant 0 : i32
      %dma_start3A_26 = arith.constant 0 : i32
      %dma_start3A_27 = tpu.memref_slice %arg2[%dma_start3A, %dma_start3A_26] : memref<10000x128xf32, #tpu.memory_space<hbm>> -> memref<10000x128xf32, #tpu.memory_space<hbm>>
      tpu.enqueue_indirect_dma source(%dma_start3A_27 : memref<10000x128xf32, #tpu.memory_space<hbm>>) target(%arg10 : memref<128x128xf32, #tpu.memory_space<vmem>>) offsets(%arg8 : memref<128xi32, #tpu.memory_space<vmem>>) semaphore(%arg12 : memref<!tpu.dma_semaphore, #tpu.memory_space<semaphore_mem>>)
      %dma_wait3A = arith.constant 0 : i32
      %dma_wait3A_28 = arith.constant 0 : i32
      %dma_wait3A_29 = tpu.memref_slice %arg2[%dma_wait3A, %dma_wait3A_28] : memref<10000x128xf32, #tpu.memory_space<hbm>> -> memref<10000x128xf32, #tpu.memory_space<hbm>>
      tpu.wait_indirect_dma semaphore(%arg12 : memref<!tpu.dma_semaphore, #tpu.memory_space<semaphore_mem>>) src(%dma_wait3A_29 : memref<10000x128xf32, #tpu.memory_space<hbm>>) dst(%arg10 : memref<128x128xf32, #tpu.memory_space<vmem>>)
      "tpu.region"() ({
        %run_scoped3A = tpu.sem_alloc : memref<!tpu.dma_semaphore, #tpu.memory_space<semaphore_mem>>
        %dma_start3A_30 = arith.constant 0 : i32
        %dma_start3A_31 = arith.constant 0 : i32
        %dma_start3A_32 = tpu.memref_slice %arg11[%dma_start3A_30, %dma_start3A_31] : memref<10112x128xf32, #tpu.memory_space<vmem_shared>> -> memref<10112x128xf32, #tpu.memory_space<vmem_shared>>
        tpu.enqueue_indirect_dma source(%arg10 : memref<128x128xf32, #tpu.memory_space<vmem>>) target(%dma_start3A_32 : memref<10112x128xf32, #tpu.memory_space<vmem_shared>>) offsets(%arg9 : memref<128xi32, #tpu.memory_space<vmem>>) semaphore(%run_scoped3A : memref<!tpu.dma_semaphore, #tpu.memory_space<semaphore_mem>>) {add = true}
        %dma_wait3A_33 = arith.constant 0 : i32
        %dma_wait3A_34 = arith.constant 0 : i32
        %dma_wait3A_35 = tpu.memref_slice %arg11[%dma_wait3A_33, %dma_wait3A_34] : memref<10112x128xf32, #tpu.memory_space<vmem_shared>> -> memref<10112x128xf32, #tpu.memory_space<vmem_shared>>
        tpu.wait_indirect_dma semaphore(%run_scoped3A : memref<!tpu.dma_semaphore, #tpu.memory_space<semaphore_mem>>) src(%arg10 : memref<128x128xf32, #tpu.memory_space<vmem>>) dst(%dma_wait3A_35 : memref<10112x128xf32, #tpu.memory_space<vmem_shared>>)
        tpu.yield
      }) : () -> ()
    }
    %scan3A_13 = arith.constant 80 : i32
    %barrier3A_14 = arith.constant 0 : index
    tpu.barrier barrier_id(%barrier3A_14)
    %eq3A = arith.constant 0 : i32
    %eq3A_15 = arith.cmpi eq, %arg0, %eq3A : i32
    %convert_element_type3A = arith.extui %eq3A_15 : i1 to i32
    %cond3A = arith.constant 0 : i32
    %cond3A_16 = arith.cmpi ne, %convert_element_type3A, %cond3A : i32
    scf.if %cond3A_16 {
      %mul3A_22 = arith.constant 632 : i32
      %mul3A_23 = arith.muli %arg1, %mul3A_22 : i32
      %mul3A_24 = arith.constant 632 : i32
      %mul3A_25 = arith.muli %arg1, %mul3A_24 : i32
      "tpu.region"() ({
        %run_scoped3A = tpu.sem_alloc : memref<!tpu.dma_semaphore, #tpu.memory_space<semaphore_mem>>
        %dma_start3A = arith.constant 0 : i32
        %dma_start3A_26 = tpu.memref_slice %arg6[%mul3A_25, %dma_start3A] : memref<10112x128xf32, #tpu.memory_space<hbm>> -> memref<632x128xf32, #tpu.memory_space<hbm>>
        %dma_start3A_27 = arith.constant 0 : i32
        %dma_start3A_28 = tpu.memref_slice %arg11[%mul3A_23, %dma_start3A_27] : memref<10112x128xf32, #tpu.memory_space<vmem_shared>> -> memref<632x128xf32, #tpu.memory_space<vmem_shared>>
        tpu.enqueue_dma source(%dma_start3A_28 : memref<632x128xf32, #tpu.memory_space<vmem_shared>>) target(%dma_start3A_26 : memref<632x128xf32, #tpu.memory_space<hbm>>) target_semaphore(%run_scoped3A : memref<!tpu.dma_semaphore, #tpu.memory_space<semaphore_mem>>)
        %dma_wait3A = arith.constant 0 : i32
        %dma_wait3A_29 = tpu.memref_slice %arg6[%mul3A_25, %dma_wait3A] : memref<10112x128xf32, #tpu.memory_space<hbm>> -> memref<632x128xf32, #tpu.memory_space<hbm>>
        %dma_wait3A_30 = arith.constant 0 : i32
        %dma_wait3A_31 = tpu.memref_slice %arg11[%mul3A_23, %dma_wait3A_30] : memref<10112x128xf32, #tpu.memory_space<vmem_shared>> -> memref<632x128xf32, #tpu.memory_space<vmem_shared>>
        tpu.wait_dma2 semaphore(%run_scoped3A : memref<!tpu.dma_semaphore, #tpu.memory_space<semaphore_mem>>) src(%dma_wait3A_31 : memref<632x128xf32, #tpu.memory_space<vmem_shared>>) dst(%dma_wait3A_29 : memref<632x128xf32, #tpu.memory_space<hbm>>)
        tpu.yield
      }) : () -> ()
    } else {
    }
    %eq3A_17 = arith.constant 1 : i32
    %eq3A_18 = arith.cmpi eq, %arg0, %eq3A_17 : i32
    %convert_element_type3A_19 = arith.extui %eq3A_18 : i1 to i32
    %cond3A_20 = arith.constant 0 : i32
    %cond3A_21 = arith.cmpi ne, %convert_element_type3A_19, %cond3A_20 : i32
    scf.if %cond3A_21 {
      %mul3A_22 = arith.constant 632 : i32
      %mul3A_23 = arith.muli %arg1, %mul3A_22 : i32
      %mul3A_24 = arith.constant 632 : i32
      %mul3A_25 = arith.muli %arg1, %mul3A_24 : i32
      "tpu.region"() ({
        %run_scoped3A = tpu.sem_alloc : memref<!tpu.dma_semaphore, #tpu.memory_space<semaphore_mem>>
        %dma_start3A = arith.constant 0 : i32
        %dma_start3A_26 = tpu.memref_slice %arg7[%mul3A_25, %dma_start3A] : memref<10112x128xf32, #tpu.memory_space<hbm>> -> memref<632x128xf32, #tpu.memory_space<hbm>>
        %dma_start3A_27 = arith.constant 0 : i32
        %dma_start3A_28 = tpu.memref_slice %arg11[%mul3A_23, %dma_start3A_27] : memref<10112x128xf32, #tpu.memory_space<vmem_shared>> -> memref<632x128xf32, #tpu.memory_space<vmem_shared>>
        tpu.enqueue_dma source(%dma_start3A_28 : memref<632x128xf32, #tpu.memory_space<vmem_shared>>) target(%dma_start3A_26 : memref<632x128xf32, #tpu.memory_space<hbm>>) target_semaphore(%run_scoped3A : memref<!tpu.dma_semaphore, #tpu.memory_space<semaphore_mem>>)
        %dma_wait3A = arith.constant 0 : i32
        %dma_wait3A_29 = tpu.memref_slice %arg7[%mul3A_25, %dma_wait3A] : memref<10112x128xf32, #tpu.memory_space<hbm>> -> memref<632x128xf32, #tpu.memory_space<hbm>>
        %dma_wait3A_30 = arith.constant 0 : i32
        %dma_wait3A_31 = tpu.memref_slice %arg11[%mul3A_23, %dma_wait3A_30] : memref<10112x128xf32, #tpu.memory_space<vmem_shared>> -> memref<632x128xf32, #tpu.memory_space<vmem_shared>>
        tpu.wait_dma2 semaphore(%run_scoped3A : memref<!tpu.dma_semaphore, #tpu.memory_space<semaphore_mem>>) src(%dma_wait3A_31 : memref<632x128xf32, #tpu.memory_space<vmem_shared>>) dst(%dma_wait3A_29 : memref<632x128xf32, #tpu.memory_space<hbm>>)
        tpu.yield
      }) : () -> ()
    } else {
    }
    return
  }
}

#map = affine_map<(d0, d1) -> (0, 0, 0)>
#map1 = affine_map<(d0, d1) -> (0, 0)>
module attributes {stable_mosaic.version = 14 : i64} {
  func.func @_deg_body(%arg0: i32, %arg1: i32, %arg2: memref<2560x2x128xi32, #tpu.memory_space<hbm>>, %arg3: memref<10112x128xf32, #tpu.memory_space<hbm>>, %arg4: memref<128x128xf32, #tpu.memory_space<hbm>>, %arg5: memref<10112x128xf32, #tpu.memory_space<hbm>>, %arg6: memref<10112x128xf32, #tpu.memory_space<hbm>>, %arg7: memref<2x128xi32, #tpu.memory_space<vmem>>, %arg8: memref<2x128xi32, #tpu.memory_space<vmem>>, %arg9: memref<2x128xi32, #tpu.memory_space<vmem>>, %arg10: memref<2x128xi32, #tpu.memory_space<vmem>>, %arg11: memref<128x128xf32, #tpu.memory_space<vmem>>, %arg12: memref<10112x128xf32, #tpu.memory_space<vmem_shared>>, %arg13: memref<!tpu.dma_semaphore, #tpu.memory_space<semaphore_mem>>, %arg14: memref<!tpu.dma_semaphore, #tpu.memory_space<semaphore_mem>>, %arg15: memref<!tpu.dma_semaphore, #tpu.memory_space<semaphore_mem>>, %arg16: memref<!tpu.dma_semaphore, #tpu.memory_space<semaphore_mem>>, %arg17: memref<!tpu.dma_semaphore, #tpu.memory_space<semaphore_mem>>, %arg18: memref<!tpu.dma_semaphore, #tpu.memory_space<semaphore_mem>>) attributes {dimension_semantics = [#tpu.dimension_semantics<core_parallel>, #tpu.dimension_semantics<subcore_parallel>], iteration_bounds = array<i64: 2, 16>, scalar_prefetch = 0 : i64, scratch_operands = 12 : i64, tpu.core_type = #tpu.core_type<sc_vector_subcore>, window_params = [{transform_indices = #map}, {transform_indices = #map1}, {transform_indices = #map1}, {transform_indices = #map1}, {transform_indices = #map1}]} {
    "tpu.region"() ({
      %run_scoped3A = tpu.sem_alloc : memref<!tpu.dma_semaphore, #tpu.memory_space<semaphore_mem>>
      tpu.enqueue_dma source(%arg4 : memref<128x128xf32, #tpu.memory_space<hbm>>) target(%arg11 : memref<128x128xf32, #tpu.memory_space<vmem>>) target_semaphore(%run_scoped3A : memref<!tpu.dma_semaphore, #tpu.memory_space<semaphore_mem>>)
      tpu.wait_dma2 semaphore(%run_scoped3A : memref<!tpu.dma_semaphore, #tpu.memory_space<semaphore_mem>>) src(%arg4 : memref<128x128xf32, #tpu.memory_space<hbm>>) dst(%arg11 : memref<128x128xf32, #tpu.memory_space<vmem>>)
      tpu.yield
    }) : () -> ()
    %mul3A = arith.constant 632 : i32
    %mul3A_0 = arith.muli %arg1, %mul3A : i32
    %mul3A_1 = arith.constant 632 : i32
    %mul3A_2 = arith.muli %arg1, %mul3A_1 : i32
    "tpu.region"() ({
      %run_scoped3A = tpu.sem_alloc : memref<!tpu.dma_semaphore, #tpu.memory_space<semaphore_mem>>
      %dma_start3A_52 = arith.constant 0 : i32
      %dma_start3A_53 = tpu.memref_slice %arg12[%mul3A_2, %dma_start3A_52] : memref<10112x128xf32, #tpu.memory_space<vmem_shared>> -> memref<632x128xf32, #tpu.memory_space<vmem_shared>>
      %dma_start3A_54 = arith.constant 0 : i32
      %dma_start3A_55 = tpu.memref_slice %arg3[%mul3A_0, %dma_start3A_54] : memref<10112x128xf32, #tpu.memory_space<hbm>> -> memref<632x128xf32, #tpu.memory_space<hbm>>
      tpu.enqueue_dma source(%dma_start3A_55 : memref<632x128xf32, #tpu.memory_space<hbm>>) target(%dma_start3A_53 : memref<632x128xf32, #tpu.memory_space<vmem_shared>>) target_semaphore(%run_scoped3A : memref<!tpu.dma_semaphore, #tpu.memory_space<semaphore_mem>>)
      %dma_wait3A_56 = arith.constant 0 : i32
      %dma_wait3A_57 = tpu.memref_slice %arg12[%mul3A_2, %dma_wait3A_56] : memref<10112x128xf32, #tpu.memory_space<vmem_shared>> -> memref<632x128xf32, #tpu.memory_space<vmem_shared>>
      %dma_wait3A_58 = arith.constant 0 : i32
      %dma_wait3A_59 = tpu.memref_slice %arg3[%mul3A_0, %dma_wait3A_58] : memref<10112x128xf32, #tpu.memory_space<hbm>> -> memref<632x128xf32, #tpu.memory_space<hbm>>
      tpu.wait_dma2 semaphore(%run_scoped3A : memref<!tpu.dma_semaphore, #tpu.memory_space<semaphore_mem>>) src(%dma_wait3A_59 : memref<632x128xf32, #tpu.memory_space<hbm>>) dst(%dma_wait3A_57 : memref<632x128xf32, #tpu.memory_space<vmem_shared>>)
      tpu.yield
    }) : () -> ()
    %barrier3A = arith.constant 0 : index
    tpu.barrier barrier_id(%barrier3A)
    %mul3A_3 = arith.constant 16 : i32
    %mul3A_4 = arith.muli %arg0, %mul3A_3 : i32
    %add3A = arith.addi %mul3A_4, %arg1 : i32
    %mul3A_5 = arith.constant 80 : i32
    %mul3A_6 = arith.muli %add3A, %mul3A_5 : i32
    %add3A_7 = arith.constant 0 : i32
    %add3A_8 = arith.addi %mul3A_6, %add3A_7 : i32
    %dma_start3A = arith.constant 0 : i32
    %dma_start3A_9 = arith.constant 0 : i32
    %dma_start3A_10 = tpu.memref_slice %arg2[%add3A_8, %dma_start3A, %dma_start3A_9] : memref<2560x2x128xi32, #tpu.memory_space<hbm>> -> memref<1x2x128xi32, #tpu.memory_space<hbm>>
    %dma_start3A_11 = tpu.memref_squeeze %dma_start3A_10 : memref<1x2x128xi32, #tpu.memory_space<hbm>> -> memref<2x128xi32, #tpu.memory_space<hbm>>
    %dma_start3A_12 = arith.constant 0 : i32
    %dma_start3A_13 = arith.constant 0 : i32
    %dma_start3A_14 = tpu.memref_slice %arg2[%add3A_8, %dma_start3A_12, %dma_start3A_13] : memref<2560x2x128xi32, #tpu.memory_space<hbm>> -> memref<1x2x128xi32, #tpu.memory_space<hbm>>
    %dma_start3A_15 = tpu.memref_squeeze %dma_start3A_14 : memref<1x2x128xi32, #tpu.memory_space<hbm>> -> memref<2x128xi32, #tpu.memory_space<hbm>>
    tpu.enqueue_dma source(%dma_start3A_15 : memref<2x128xi32, #tpu.memory_space<hbm>>) target(%arg7 : memref<2x128xi32, #tpu.memory_space<vmem>>) target_semaphore(%arg13 : memref<!tpu.dma_semaphore, #tpu.memory_space<semaphore_mem>>)
    %add3A_16 = arith.constant 1 : i32
    %add3A_17 = arith.addi %mul3A_6, %add3A_16 : i32
    %dma_start3A_18 = arith.constant 0 : i32
    %dma_start3A_19 = arith.constant 0 : i32
    %dma_start3A_20 = tpu.memref_slice %arg2[%add3A_17, %dma_start3A_18, %dma_start3A_19] : memref<2560x2x128xi32, #tpu.memory_space<hbm>> -> memref<1x2x128xi32, #tpu.memory_space<hbm>>
    %dma_start3A_21 = tpu.memref_squeeze %dma_start3A_20 : memref<1x2x128xi32, #tpu.memory_space<hbm>> -> memref<2x128xi32, #tpu.memory_space<hbm>>
    %dma_start3A_22 = arith.constant 0 : i32
    %dma_start3A_23 = arith.constant 0 : i32
    %dma_start3A_24 = tpu.memref_slice %arg2[%add3A_17, %dma_start3A_22, %dma_start3A_23] : memref<2560x2x128xi32, #tpu.memory_space<hbm>> -> memref<1x2x128xi32, #tpu.memory_space<hbm>>
    %dma_start3A_25 = tpu.memref_squeeze %dma_start3A_24 : memref<1x2x128xi32, #tpu.memory_space<hbm>> -> memref<2x128xi32, #tpu.memory_space<hbm>>
    tpu.enqueue_dma source(%dma_start3A_25 : memref<2x128xi32, #tpu.memory_space<hbm>>) target(%arg8 : memref<2x128xi32, #tpu.memory_space<vmem>>) target_semaphore(%arg14 : memref<!tpu.dma_semaphore, #tpu.memory_space<semaphore_mem>>)
    %scan3A = arith.constant 0 : i32
    %scan3A_26 = arith.constant 0 : i32
    %scan3A_27 = arith.constant 20 : i32
    %scan3A_28 = arith.addi %scan3A_26, %scan3A_27 : i32
    %scan3A_29 = arith.constant 1 : i32
    scf.for %scan3A_52 = %scan3A_26 to %scan3A_28 step %scan3A_29  : i32 {
      %mul3A_53 = arith.constant 4 : i32
      %mul3A_54 = arith.muli %scan3A_52, %mul3A_53 : i32
      %add3A_55 = arith.constant 0 : i32
      %add3A_56 = arith.addi %mul3A_54, %add3A_55 : i32
      %ge3A = arith.constant 2 : i32
      %ge3A_57 = arith.cmpi sge, %add3A_56, %ge3A : i32
      %convert_element_type3A_58 = arith.extui %ge3A_57 : i1 to i32
      %cond3A_59 = arith.constant 0 : i32
      %cond3A_60 = arith.cmpi ne, %convert_element_type3A_58, %cond3A_59 : i32
      scf.if %cond3A_60 {
        %dma_wait3A_175 = arith.constant 1 : i32
        %dma_wait3A_176 = arith.constant 0 : i32
        %dma_wait3A_177 = tpu.memref_slice %arg9[%dma_wait3A_175, %dma_wait3A_176] : memref<2x128xi32, #tpu.memory_space<vmem>> -> memref<1x128xi32, #tpu.memory_space<vmem>>
        %dma_wait3A_178 = tpu.memref_squeeze %dma_wait3A_177 : memref<1x128xi32, #tpu.memory_space<vmem>> -> memref<128xi32, #tpu.memory_space<vmem>>
        %dma_wait3A_179 = arith.constant 0 : i32
        %dma_wait3A_180 = arith.constant 0 : i32
        %dma_wait3A_181 = tpu.memref_slice %arg12[%dma_wait3A_179, %dma_wait3A_180] : memref<10112x128xf32, #tpu.memory_space<vmem_shared>> -> memref<10112x128xf32, #tpu.memory_space<vmem_shared>>
        tpu.wait_indirect_dma semaphore(%arg17 : memref<!tpu.dma_semaphore, #tpu.memory_space<semaphore_mem>>) src(%arg11 : memref<128x128xf32, #tpu.memory_space<vmem>>) dst(%dma_wait3A_181 : memref<10112x128xf32, #tpu.memory_space<vmem_shared>>)
      } else {
      }
      %add3A_61 = arith.constant 2 : i32
      %add3A_62 = arith.addi %add3A_56, %add3A_61 : i32
      %lt3A = arith.constant 80 : i32
      %lt3A_63 = arith.cmpi slt, %add3A_62, %lt3A : i32
      %convert_element_type3A_64 = arith.extui %lt3A_63 : i1 to i32
      %cond3A_65 = arith.constant 0 : i32
      %cond3A_66 = arith.cmpi ne, %convert_element_type3A_64, %cond3A_65 : i32
      scf.if %cond3A_66 {
        %add3A_175 = arith.constant 2 : i32
        %add3A_176 = arith.addi %add3A_56, %add3A_175 : i32
        %add3A_177 = arith.addi %mul3A_6, %add3A_176 : i32
        %dma_start3A_178 = arith.constant 0 : i32
        %dma_start3A_179 = arith.constant 0 : i32
        %dma_start3A_180 = tpu.memref_slice %arg2[%add3A_177, %dma_start3A_178, %dma_start3A_179] : memref<2560x2x128xi32, #tpu.memory_space<hbm>> -> memref<1x2x128xi32, #tpu.memory_space<hbm>>
        %dma_start3A_181 = tpu.memref_squeeze %dma_start3A_180 : memref<1x2x128xi32, #tpu.memory_space<hbm>> -> memref<2x128xi32, #tpu.memory_space<hbm>>
        %dma_start3A_182 = arith.constant 0 : i32
        %dma_start3A_183 = arith.constant 0 : i32
        %dma_start3A_184 = tpu.memref_slice %arg2[%add3A_177, %dma_start3A_182, %dma_start3A_183] : memref<2560x2x128xi32, #tpu.memory_space<hbm>> -> memref<1x2x128xi32, #tpu.memory_space<hbm>>
        %dma_start3A_185 = tpu.memref_squeeze %dma_start3A_184 : memref<1x2x128xi32, #tpu.memory_space<hbm>> -> memref<2x128xi32, #tpu.memory_space<hbm>>
        tpu.enqueue_dma source(%dma_start3A_185 : memref<2x128xi32, #tpu.memory_space<hbm>>) target(%arg9 : memref<2x128xi32, #tpu.memory_space<vmem>>) target_semaphore(%arg15 : memref<!tpu.dma_semaphore, #tpu.memory_space<semaphore_mem>>)
      } else {
      }
      %dma_wait3A_67 = arith.constant 0 : i32
      %dma_wait3A_68 = arith.constant 0 : i32
      %dma_wait3A_69 = tpu.memref_slice %arg2[%mul3A_6, %dma_wait3A_67, %dma_wait3A_68] : memref<2560x2x128xi32, #tpu.memory_space<hbm>> -> memref<1x2x128xi32, #tpu.memory_space<hbm>>
      %dma_wait3A_70 = tpu.memref_squeeze %dma_wait3A_69 : memref<1x2x128xi32, #tpu.memory_space<hbm>> -> memref<2x128xi32, #tpu.memory_space<hbm>>
      %dma_wait3A_71 = arith.constant 0 : i32
      %dma_wait3A_72 = arith.constant 0 : i32
      %dma_wait3A_73 = tpu.memref_slice %arg2[%mul3A_6, %dma_wait3A_71, %dma_wait3A_72] : memref<2560x2x128xi32, #tpu.memory_space<hbm>> -> memref<1x2x128xi32, #tpu.memory_space<hbm>>
      %dma_wait3A_74 = tpu.memref_squeeze %dma_wait3A_73 : memref<1x2x128xi32, #tpu.memory_space<hbm>> -> memref<2x128xi32, #tpu.memory_space<hbm>>
      tpu.wait_dma2 semaphore(%arg13 : memref<!tpu.dma_semaphore, #tpu.memory_space<semaphore_mem>>) src(%dma_wait3A_74 : memref<2x128xi32, #tpu.memory_space<hbm>>) dst(%arg7 : memref<2x128xi32, #tpu.memory_space<vmem>>)
      %dma_start3A_75 = arith.constant 1 : i32
      %dma_start3A_76 = arith.constant 0 : i32
      %dma_start3A_77 = tpu.memref_slice %arg7[%dma_start3A_75, %dma_start3A_76] : memref<2x128xi32, #tpu.memory_space<vmem>> -> memref<1x128xi32, #tpu.memory_space<vmem>>
      %dma_start3A_78 = tpu.memref_squeeze %dma_start3A_77 : memref<1x128xi32, #tpu.memory_space<vmem>> -> memref<128xi32, #tpu.memory_space<vmem>>
      %dma_start3A_79 = arith.constant 0 : i32
      %dma_start3A_80 = arith.constant 0 : i32
      %dma_start3A_81 = tpu.memref_slice %arg12[%dma_start3A_79, %dma_start3A_80] : memref<10112x128xf32, #tpu.memory_space<vmem_shared>> -> memref<10112x128xf32, #tpu.memory_space<vmem_shared>>
      tpu.enqueue_indirect_dma source(%arg11 : memref<128x128xf32, #tpu.memory_space<vmem>>) target(%dma_start3A_81 : memref<10112x128xf32, #tpu.memory_space<vmem_shared>>) offsets(%dma_start3A_78 : memref<128xi32, #tpu.memory_space<vmem>>) semaphore(%arg17 : memref<!tpu.dma_semaphore, #tpu.memory_space<semaphore_mem>>) {add = true}
      %mul3A_82 = arith.constant 4 : i32
      %mul3A_83 = arith.muli %scan3A_52, %mul3A_82 : i32
      %add3A_84 = arith.constant 1 : i32
      %add3A_85 = arith.addi %mul3A_83, %add3A_84 : i32
      %ge3A_86 = arith.constant 2 : i32
      %ge3A_87 = arith.cmpi sge, %add3A_85, %ge3A_86 : i32
      %convert_element_type3A_88 = arith.extui %ge3A_87 : i1 to i32
      %cond3A_89 = arith.constant 0 : i32
      %cond3A_90 = arith.cmpi ne, %convert_element_type3A_88, %cond3A_89 : i32
      scf.if %cond3A_90 {
        %dma_wait3A_175 = arith.constant 1 : i32
        %dma_wait3A_176 = arith.constant 0 : i32
        %dma_wait3A_177 = tpu.memref_slice %arg10[%dma_wait3A_175, %dma_wait3A_176] : memref<2x128xi32, #tpu.memory_space<vmem>> -> memref<1x128xi32, #tpu.memory_space<vmem>>
        %dma_wait3A_178 = tpu.memref_squeeze %dma_wait3A_177 : memref<1x128xi32, #tpu.memory_space<vmem>> -> memref<128xi32, #tpu.memory_space<vmem>>
        %dma_wait3A_179 = arith.constant 0 : i32
        %dma_wait3A_180 = arith.constant 0 : i32
        %dma_wait3A_181 = tpu.memref_slice %arg12[%dma_wait3A_179, %dma_wait3A_180] : memref<10112x128xf32, #tpu.memory_space<vmem_shared>> -> memref<10112x128xf32, #tpu.memory_space<vmem_shared>>
        tpu.wait_indirect_dma semaphore(%arg18 : memref<!tpu.dma_semaphore, #tpu.memory_space<semaphore_mem>>) src(%arg11 : memref<128x128xf32, #tpu.memory_space<vmem>>) dst(%dma_wait3A_181 : memref<10112x128xf32, #tpu.memory_space<vmem_shared>>)
      } else {
      }
      %add3A_91 = arith.constant 2 : i32
      %add3A_92 = arith.addi %add3A_85, %add3A_91 : i32
      %lt3A_93 = arith.constant 80 : i32
      %lt3A_94 = arith.cmpi slt, %add3A_92, %lt3A_93 : i32
      %convert_element_type3A_95 = arith.extui %lt3A_94 : i1 to i32
      %cond3A_96 = arith.constant 0 : i32
      %cond3A_97 = arith.cmpi ne, %convert_element_type3A_95, %cond3A_96 : i32
      scf.if %cond3A_97 {
        %add3A_175 = arith.constant 2 : i32
        %add3A_176 = arith.addi %add3A_85, %add3A_175 : i32
        %add3A_177 = arith.addi %mul3A_6, %add3A_176 : i32
        %dma_start3A_178 = arith.constant 0 : i32
        %dma_start3A_179 = arith.constant 0 : i32
        %dma_start3A_180 = tpu.memref_slice %arg2[%add3A_177, %dma_start3A_178, %dma_start3A_179] : memref<2560x2x128xi32, #tpu.memory_space<hbm>> -> memref<1x2x128xi32, #tpu.memory_space<hbm>>
        %dma_start3A_181 = tpu.memref_squeeze %dma_start3A_180 : memref<1x2x128xi32, #tpu.memory_space<hbm>> -> memref<2x128xi32, #tpu.memory_space<hbm>>
        %dma_start3A_182 = arith.constant 0 : i32
        %dma_start3A_183 = arith.constant 0 : i32
        %dma_start3A_184 = tpu.memref_slice %arg2[%add3A_177, %dma_start3A_182, %dma_start3A_183] : memref<2560x2x128xi32, #tpu.memory_space<hbm>> -> memref<1x2x128xi32, #tpu.memory_space<hbm>>
        %dma_start3A_185 = tpu.memref_squeeze %dma_start3A_184 : memref<1x2x128xi32, #tpu.memory_space<hbm>> -> memref<2x128xi32, #tpu.memory_space<hbm>>
        tpu.enqueue_dma source(%dma_start3A_185 : memref<2x128xi32, #tpu.memory_space<hbm>>) target(%arg10 : memref<2x128xi32, #tpu.memory_space<vmem>>) target_semaphore(%arg16 : memref<!tpu.dma_semaphore, #tpu.memory_space<semaphore_mem>>)
      } else {
      }
      %dma_wait3A_98 = arith.constant 0 : i32
      %dma_wait3A_99 = arith.constant 0 : i32
      %dma_wait3A_100 = tpu.memref_slice %arg2[%mul3A_6, %dma_wait3A_98, %dma_wait3A_99] : memref<2560x2x128xi32, #tpu.memory_space<hbm>> -> memref<1x2x128xi32, #tpu.memory_space<hbm>>
      %dma_wait3A_101 = tpu.memref_squeeze %dma_wait3A_100 : memref<1x2x128xi32, #tpu.memory_space<hbm>> -> memref<2x128xi32, #tpu.memory_space<hbm>>
      %dma_wait3A_102 = arith.constant 0 : i32
      %dma_wait3A_103 = arith.constant 0 : i32
      %dma_wait3A_104 = tpu.memref_slice %arg2[%mul3A_6, %dma_wait3A_102, %dma_wait3A_103] : memref<2560x2x128xi32, #tpu.memory_space<hbm>> -> memref<1x2x128xi32, #tpu.memory_space<hbm>>
      %dma_wait3A_105 = tpu.memref_squeeze %dma_wait3A_104 : memref<1x2x128xi32, #tpu.memory_space<hbm>> -> memref<2x128xi32, #tpu.memory_space<hbm>>
      tpu.wait_dma2 semaphore(%arg14 : memref<!tpu.dma_semaphore, #tpu.memory_space<semaphore_mem>>) src(%dma_wait3A_105 : memref<2x128xi32, #tpu.memory_space<hbm>>) dst(%arg8 : memref<2x128xi32, #tpu.memory_space<vmem>>)
      %dma_start3A_106 = arith.constant 1 : i32
      %dma_start3A_107 = arith.constant 0 : i32
      %dma_start3A_108 = tpu.memref_slice %arg8[%dma_start3A_106, %dma_start3A_107] : memref<2x128xi32, #tpu.memory_space<vmem>> -> memref<1x128xi32, #tpu.memory_space<vmem>>
      %dma_start3A_109 = tpu.memref_squeeze %dma_start3A_108 : memref<1x128xi32, #tpu.memory_space<vmem>> -> memref<128xi32, #tpu.memory_space<vmem>>
      %dma_start3A_110 = arith.constant 0 : i32
      %dma_start3A_111 = arith.constant 0 : i32
      %dma_start3A_112 = tpu.memref_slice %arg12[%dma_start3A_110, %dma_start3A_111] : memref<10112x128xf32, #tpu.memory_space<vmem_shared>> -> memref<10112x128xf32, #tpu.memory_space<vmem_shared>>
      tpu.enqueue_indirect_dma source(%arg11 : memref<128x128xf32, #tpu.memory_space<vmem>>) target(%dma_start3A_112 : memref<10112x128xf32, #tpu.memory_space<vmem_shared>>) offsets(%dma_start3A_109 : memref<128xi32, #tpu.memory_space<vmem>>) semaphore(%arg18 : memref<!tpu.dma_semaphore, #tpu.memory_space<semaphore_mem>>) {add = true}
      %mul3A_113 = arith.constant 4 : i32
      %mul3A_114 = arith.muli %scan3A_52, %mul3A_113 : i32
      %add3A_115 = arith.constant 2 : i32
      %add3A_116 = arith.addi %mul3A_114, %add3A_115 : i32
      %ge3A_117 = arith.constant 2 : i32
      %ge3A_118 = arith.cmpi sge, %add3A_116, %ge3A_117 : i32
      %convert_element_type3A_119 = arith.extui %ge3A_118 : i1 to i32
      %cond3A_120 = arith.constant 0 : i32
      %cond3A_121 = arith.cmpi ne, %convert_element_type3A_119, %cond3A_120 : i32
      scf.if %cond3A_121 {
        %dma_wait3A_175 = arith.constant 1 : i32
        %dma_wait3A_176 = arith.constant 0 : i32
        %dma_wait3A_177 = tpu.memref_slice %arg7[%dma_wait3A_175, %dma_wait3A_176] : memref<2x128xi32, #tpu.memory_space<vmem>> -> memref<1x128xi32, #tpu.memory_space<vmem>>
        %dma_wait3A_178 = tpu.memref_squeeze %dma_wait3A_177 : memref<1x128xi32, #tpu.memory_space<vmem>> -> memref<128xi32, #tpu.memory_space<vmem>>
        %dma_wait3A_179 = arith.constant 0 : i32
        %dma_wait3A_180 = arith.constant 0 : i32
        %dma_wait3A_181 = tpu.memref_slice %arg12[%dma_wait3A_179, %dma_wait3A_180] : memref<10112x128xf32, #tpu.memory_space<vmem_shared>> -> memref<10112x128xf32, #tpu.memory_space<vmem_shared>>
        tpu.wait_indirect_dma semaphore(%arg17 : memref<!tpu.dma_semaphore, #tpu.memory_space<semaphore_mem>>) src(%arg11 : memref<128x128xf32, #tpu.memory_space<vmem>>) dst(%dma_wait3A_181 : memref<10112x128xf32, #tpu.memory_space<vmem_shared>>)
      } else {
      }
      %add3A_122 = arith.constant 2 : i32
      %add3A_123 = arith.addi %add3A_116, %add3A_122 : i32
      %lt3A_124 = arith.constant 80 : i32
      %lt3A_125 = arith.cmpi slt, %add3A_123, %lt3A_124 : i32
      %convert_element_type3A_126 = arith.extui %lt3A_125 : i1 to i32
      %cond3A_127 = arith.constant 0 : i32
      %cond3A_128 = arith.cmpi ne, %convert_element_type3A_126, %cond3A_127 : i32
      scf.if %cond3A_128 {
        %add3A_175 = arith.constant 2 : i32
        %add3A_176 = arith.addi %add3A_116, %add3A_175 : i32
        %add3A_177 = arith.addi %mul3A_6, %add3A_176 : i32
        %dma_start3A_178 = arith.constant 0 : i32
        %dma_start3A_179 = arith.constant 0 : i32
        %dma_start3A_180 = tpu.memref_slice %arg2[%add3A_177, %dma_start3A_178, %dma_start3A_179] : memref<2560x2x128xi32, #tpu.memory_space<hbm>> -> memref<1x2x128xi32, #tpu.memory_space<hbm>>
        %dma_start3A_181 = tpu.memref_squeeze %dma_start3A_180 : memref<1x2x128xi32, #tpu.memory_space<hbm>> -> memref<2x128xi32, #tpu.memory_space<hbm>>
        %dma_start3A_182 = arith.constant 0 : i32
        %dma_start3A_183 = arith.constant 0 : i32
        %dma_start3A_184 = tpu.memref_slice %arg2[%add3A_177, %dma_start3A_182, %dma_start3A_183] : memref<2560x2x128xi32, #tpu.memory_space<hbm>> -> memref<1x2x128xi32, #tpu.memory_space<hbm>>
        %dma_start3A_185 = tpu.memref_squeeze %dma_start3A_184 : memref<1x2x128xi32, #tpu.memory_space<hbm>> -> memref<2x128xi32, #tpu.memory_space<hbm>>
        tpu.enqueue_dma source(%dma_start3A_185 : memref<2x128xi32, #tpu.memory_space<hbm>>) target(%arg7 : memref<2x128xi32, #tpu.memory_space<vmem>>) target_semaphore(%arg13 : memref<!tpu.dma_semaphore, #tpu.memory_space<semaphore_mem>>)
      } else {
      }
      %dma_wait3A_129 = arith.constant 0 : i32
      %dma_wait3A_130 = arith.constant 0 : i32
      %dma_wait3A_131 = tpu.memref_slice %arg2[%mul3A_6, %dma_wait3A_129, %dma_wait3A_130] : memref<2560x2x128xi32, #tpu.memory_space<hbm>> -> memref<1x2x128xi32, #tpu.memory_space<hbm>>
      %dma_wait3A_132 = tpu.memref_squeeze %dma_wait3A_131 : memref<1x2x128xi32, #tpu.memory_space<hbm>> -> memref<2x128xi32, #tpu.memory_space<hbm>>
      %dma_wait3A_133 = arith.constant 0 : i32
      %dma_wait3A_134 = arith.constant 0 : i32
      %dma_wait3A_135 = tpu.memref_slice %arg2[%mul3A_6, %dma_wait3A_133, %dma_wait3A_134] : memref<2560x2x128xi32, #tpu.memory_space<hbm>> -> memref<1x2x128xi32, #tpu.memory_space<hbm>>
      %dma_wait3A_136 = tpu.memref_squeeze %dma_wait3A_135 : memref<1x2x128xi32, #tpu.memory_space<hbm>> -> memref<2x128xi32, #tpu.memory_space<hbm>>
      tpu.wait_dma2 semaphore(%arg15 : memref<!tpu.dma_semaphore, #tpu.memory_space<semaphore_mem>>) src(%dma_wait3A_136 : memref<2x128xi32, #tpu.memory_space<hbm>>) dst(%arg9 : memref<2x128xi32, #tpu.memory_space<vmem>>)
      %dma_start3A_137 = arith.constant 1 : i32
      %dma_start3A_138 = arith.constant 0 : i32
      %dma_start3A_139 = tpu.memref_slice %arg9[%dma_start3A_137, %dma_start3A_138] : memref<2x128xi32, #tpu.memory_space<vmem>> -> memref<1x128xi32, #tpu.memory_space<vmem>>
      %dma_start3A_140 = tpu.memref_squeeze %dma_start3A_139 : memref<1x128xi32, #tpu.memory_space<vmem>> -> memref<128xi32, #tpu.memory_space<vmem>>
      %dma_start3A_141 = arith.constant 0 : i32
      %dma_start3A_142 = arith.constant 0 : i32
      %dma_start3A_143 = tpu.memref_slice %arg12[%dma_start3A_141, %dma_start3A_142] : memref<10112x128xf32, #tpu.memory_space<vmem_shared>> -> memref<10112x128xf32, #tpu.memory_space<vmem_shared>>
      tpu.enqueue_indirect_dma source(%arg11 : memref<128x128xf32, #tpu.memory_space<vmem>>) target(%dma_start3A_143 : memref<10112x128xf32, #tpu.memory_space<vmem_shared>>) offsets(%dma_start3A_140 : memref<128xi32, #tpu.memory_space<vmem>>) semaphore(%arg17 : memref<!tpu.dma_semaphore, #tpu.memory_space<semaphore_mem>>) {add = true}
      %mul3A_144 = arith.constant 4 : i32
      %mul3A_145 = arith.muli %scan3A_52, %mul3A_144 : i32
      %add3A_146 = arith.constant 3 : i32
      %add3A_147 = arith.addi %mul3A_145, %add3A_146 : i32
      %ge3A_148 = arith.constant 2 : i32
      %ge3A_149 = arith.cmpi sge, %add3A_147, %ge3A_148 : i32
      %convert_element_type3A_150 = arith.extui %ge3A_149 : i1 to i32
      %cond3A_151 = arith.constant 0 : i32
      %cond3A_152 = arith.cmpi ne, %convert_element_type3A_150, %cond3A_151 : i32
      scf.if %cond3A_152 {
        %dma_wait3A_175 = arith.constant 1 : i32
        %dma_wait3A_176 = arith.constant 0 : i32
        %dma_wait3A_177 = tpu.memref_slice %arg8[%dma_wait3A_175, %dma_wait3A_176] : memref<2x128xi32, #tpu.memory_space<vmem>> -> memref<1x128xi32, #tpu.memory_space<vmem>>
        %dma_wait3A_178 = tpu.memref_squeeze %dma_wait3A_177 : memref<1x128xi32, #tpu.memory_space<vmem>> -> memref<128xi32, #tpu.memory_space<vmem>>
        %dma_wait3A_179 = arith.constant 0 : i32
        %dma_wait3A_180 = arith.constant 0 : i32
        %dma_wait3A_181 = tpu.memref_slice %arg12[%dma_wait3A_179, %dma_wait3A_180] : memref<10112x128xf32, #tpu.memory_space<vmem_shared>> -> memref<10112x128xf32, #tpu.memory_space<vmem_shared>>
        tpu.wait_indirect_dma semaphore(%arg18 : memref<!tpu.dma_semaphore, #tpu.memory_space<semaphore_mem>>) src(%arg11 : memref<128x128xf32, #tpu.memory_space<vmem>>) dst(%dma_wait3A_181 : memref<10112x128xf32, #tpu.memory_space<vmem_shared>>)
      } else {
      }
      %add3A_153 = arith.constant 2 : i32
      %add3A_154 = arith.addi %add3A_147, %add3A_153 : i32
      %lt3A_155 = arith.constant 80 : i32
      %lt3A_156 = arith.cmpi slt, %add3A_154, %lt3A_155 : i32
      %convert_element_type3A_157 = arith.extui %lt3A_156 : i1 to i32
      %cond3A_158 = arith.constant 0 : i32
      %cond3A_159 = arith.cmpi ne, %convert_element_type3A_157, %cond3A_158 : i32
      scf.if %cond3A_159 {
        %add3A_175 = arith.constant 2 : i32
        %add3A_176 = arith.addi %add3A_147, %add3A_175 : i32
        %add3A_177 = arith.addi %mul3A_6, %add3A_176 : i32
        %dma_start3A_178 = arith.constant 0 : i32
        %dma_start3A_179 = arith.constant 0 : i32
        %dma_start3A_180 = tpu.memref_slice %arg2[%add3A_177, %dma_start3A_178, %dma_start3A_179] : memref<2560x2x128xi32, #tpu.memory_space<hbm>> -> memref<1x2x128xi32, #tpu.memory_space<hbm>>
        %dma_start3A_181 = tpu.memref_squeeze %dma_start3A_180 : memref<1x2x128xi32, #tpu.memory_space<hbm>> -> memref<2x128xi32, #tpu.memory_space<hbm>>
        %dma_start3A_182 = arith.constant 0 : i32
        %dma_start3A_183 = arith.constant 0 : i32
        %dma_start3A_184 = tpu.memref_slice %arg2[%add3A_177, %dma_start3A_182, %dma_start3A_183] : memref<2560x2x128xi32, #tpu.memory_space<hbm>> -> memref<1x2x128xi32, #tpu.memory_space<hbm>>
        %dma_start3A_185 = tpu.memref_squeeze %dma_start3A_184 : memref<1x2x128xi32, #tpu.memory_space<hbm>> -> memref<2x128xi32, #tpu.memory_space<hbm>>
        tpu.enqueue_dma source(%dma_start3A_185 : memref<2x128xi32, #tpu.memory_space<hbm>>) target(%arg8 : memref<2x128xi32, #tpu.memory_space<vmem>>) target_semaphore(%arg14 : memref<!tpu.dma_semaphore, #tpu.memory_space<semaphore_mem>>)
      } else {
      }
      %dma_wait3A_160 = arith.constant 0 : i32
      %dma_wait3A_161 = arith.constant 0 : i32
      %dma_wait3A_162 = tpu.memref_slice %arg2[%mul3A_6, %dma_wait3A_160, %dma_wait3A_161] : memref<2560x2x128xi32, #tpu.memory_space<hbm>> -> memref<1x2x128xi32, #tpu.memory_space<hbm>>
      %dma_wait3A_163 = tpu.memref_squeeze %dma_wait3A_162 : memref<1x2x128xi32, #tpu.memory_space<hbm>> -> memref<2x128xi32, #tpu.memory_space<hbm>>
      %dma_wait3A_164 = arith.constant 0 : i32
      %dma_wait3A_165 = arith.constant 0 : i32
      %dma_wait3A_166 = tpu.memref_slice %arg2[%mul3A_6, %dma_wait3A_164, %dma_wait3A_165] : memref<2560x2x128xi32, #tpu.memory_space<hbm>> -> memref<1x2x128xi32, #tpu.memory_space<hbm>>
      %dma_wait3A_167 = tpu.memref_squeeze %dma_wait3A_166 : memref<1x2x128xi32, #tpu.memory_space<hbm>> -> memref<2x128xi32, #tpu.memory_space<hbm>>
      tpu.wait_dma2 semaphore(%arg16 : memref<!tpu.dma_semaphore, #tpu.memory_space<semaphore_mem>>) src(%dma_wait3A_167 : memref<2x128xi32, #tpu.memory_space<hbm>>) dst(%arg10 : memref<2x128xi32, #tpu.memory_space<vmem>>)
      %dma_start3A_168 = arith.constant 1 : i32
      %dma_start3A_169 = arith.constant 0 : i32
      %dma_start3A_170 = tpu.memref_slice %arg10[%dma_start3A_168, %dma_start3A_169] : memref<2x128xi32, #tpu.memory_space<vmem>> -> memref<1x128xi32, #tpu.memory_space<vmem>>
      %dma_start3A_171 = tpu.memref_squeeze %dma_start3A_170 : memref<1x128xi32, #tpu.memory_space<vmem>> -> memref<128xi32, #tpu.memory_space<vmem>>
      %dma_start3A_172 = arith.constant 0 : i32
      %dma_start3A_173 = arith.constant 0 : i32
      %dma_start3A_174 = tpu.memref_slice %arg12[%dma_start3A_172, %dma_start3A_173] : memref<10112x128xf32, #tpu.memory_space<vmem_shared>> -> memref<10112x128xf32, #tpu.memory_space<vmem_shared>>
      tpu.enqueue_indirect_dma source(%arg11 : memref<128x128xf32, #tpu.memory_space<vmem>>) target(%dma_start3A_174 : memref<10112x128xf32, #tpu.memory_space<vmem_shared>>) offsets(%dma_start3A_171 : memref<128xi32, #tpu.memory_space<vmem>>) semaphore(%arg18 : memref<!tpu.dma_semaphore, #tpu.memory_space<semaphore_mem>>) {add = true}
    }
    %scan3A_30 = arith.constant 20 : i32
    %dma_wait3A = arith.constant 1 : i32
    %dma_wait3A_31 = arith.constant 0 : i32
    %dma_wait3A_32 = tpu.memref_slice %arg9[%dma_wait3A, %dma_wait3A_31] : memref<2x128xi32, #tpu.memory_space<vmem>> -> memref<1x128xi32, #tpu.memory_space<vmem>>
    %dma_wait3A_33 = tpu.memref_squeeze %dma_wait3A_32 : memref<1x128xi32, #tpu.memory_space<vmem>> -> memref<128xi32, #tpu.memory_space<vmem>>
    %dma_wait3A_34 = arith.constant 0 : i32
    %dma_wait3A_35 = arith.constant 0 : i32
    %dma_wait3A_36 = tpu.memref_slice %arg12[%dma_wait3A_34, %dma_wait3A_35] : memref<10112x128xf32, #tpu.memory_space<vmem_shared>> -> memref<10112x128xf32, #tpu.memory_space<vmem_shared>>
    tpu.wait_indirect_dma semaphore(%arg17 : memref<!tpu.dma_semaphore, #tpu.memory_space<semaphore_mem>>) src(%arg11 : memref<128x128xf32, #tpu.memory_space<vmem>>) dst(%dma_wait3A_36 : memref<10112x128xf32, #tpu.memory_space<vmem_shared>>)
    %dma_wait3A_37 = arith.constant 1 : i32
    %dma_wait3A_38 = arith.constant 0 : i32
    %dma_wait3A_39 = tpu.memref_slice %arg10[%dma_wait3A_37, %dma_wait3A_38] : memref<2x128xi32, #tpu.memory_space<vmem>> -> memref<1x128xi32, #tpu.memory_space<vmem>>
    %dma_wait3A_40 = tpu.memref_squeeze %dma_wait3A_39 : memref<1x128xi32, #tpu.memory_space<vmem>> -> memref<128xi32, #tpu.memory_space<vmem>>
    %dma_wait3A_41 = arith.constant 0 : i32
    %dma_wait3A_42 = arith.constant 0 : i32
    %dma_wait3A_43 = tpu.memref_slice %arg12[%dma_wait3A_41, %dma_wait3A_42] : memref<10112x128xf32, #tpu.memory_space<vmem_shared>> -> memref<10112x128xf32, #tpu.memory_space<vmem_shared>>
    tpu.wait_indirect_dma semaphore(%arg18 : memref<!tpu.dma_semaphore, #tpu.memory_space<semaphore_mem>>) src(%arg11 : memref<128x128xf32, #tpu.memory_space<vmem>>) dst(%dma_wait3A_43 : memref<10112x128xf32, #tpu.memory_space<vmem_shared>>)
    %barrier3A_44 = arith.constant 0 : index
    tpu.barrier barrier_id(%barrier3A_44)
    %eq3A = arith.constant 0 : i32
    %eq3A_45 = arith.cmpi eq, %arg0, %eq3A : i32
    %convert_element_type3A = arith.extui %eq3A_45 : i1 to i32
    %cond3A = arith.constant 0 : i32
    %cond3A_46 = arith.cmpi ne, %convert_element_type3A, %cond3A : i32
    scf.if %cond3A_46 {
      %mul3A_52 = arith.constant 632 : i32
      %mul3A_53 = arith.muli %arg1, %mul3A_52 : i32
      %mul3A_54 = arith.constant 632 : i32
      %mul3A_55 = arith.muli %arg1, %mul3A_54 : i32
      "tpu.region"() ({
        %run_scoped3A = tpu.sem_alloc : memref<!tpu.dma_semaphore, #tpu.memory_space<semaphore_mem>>
        %dma_start3A_56 = arith.constant 0 : i32
        %dma_start3A_57 = tpu.memref_slice %arg5[%mul3A_55, %dma_start3A_56] : memref<10112x128xf32, #tpu.memory_space<hbm>> -> memref<632x128xf32, #tpu.memory_space<hbm>>
        %dma_start3A_58 = arith.constant 0 : i32
        %dma_start3A_59 = tpu.memref_slice %arg12[%mul3A_53, %dma_start3A_58] : memref<10112x128xf32, #tpu.memory_space<vmem_shared>> -> memref<632x128xf32, #tpu.memory_space<vmem_shared>>
        tpu.enqueue_dma source(%dma_start3A_59 : memref<632x128xf32, #tpu.memory_space<vmem_shared>>) target(%dma_start3A_57 : memref<632x128xf32, #tpu.memory_space<hbm>>) target_semaphore(%run_scoped3A : memref<!tpu.dma_semaphore, #tpu.memory_space<semaphore_mem>>)
        %dma_wait3A_60 = arith.constant 0 : i32
        %dma_wait3A_61 = tpu.memref_slice %arg5[%mul3A_55, %dma_wait3A_60] : memref<10112x128xf32, #tpu.memory_space<hbm>> -> memref<632x128xf32, #tpu.memory_space<hbm>>
        %dma_wait3A_62 = arith.constant 0 : i32
        %dma_wait3A_63 = tpu.memref_slice %arg12[%mul3A_53, %dma_wait3A_62] : memref<10112x128xf32, #tpu.memory_space<vmem_shared>> -> memref<632x128xf32, #tpu.memory_space<vmem_shared>>
        tpu.wait_dma2 semaphore(%run_scoped3A : memref<!tpu.dma_semaphore, #tpu.memory_space<semaphore_mem>>) src(%dma_wait3A_63 : memref<632x128xf32, #tpu.memory_space<vmem_shared>>) dst(%dma_wait3A_61 : memref<632x128xf32, #tpu.memory_space<hbm>>)
        tpu.yield
      }) : () -> ()
    } else {
    }
    %eq3A_47 = arith.constant 1 : i32
    %eq3A_48 = arith.cmpi eq, %arg0, %eq3A_47 : i32
    %convert_element_type3A_49 = arith.extui %eq3A_48 : i1 to i32
    %cond3A_50 = arith.constant 0 : i32
    %cond3A_51 = arith.cmpi ne, %convert_element_type3A_49, %cond3A_50 : i32
    scf.if %cond3A_51 {
      %mul3A_52 = arith.constant 632 : i32
      %mul3A_53 = arith.muli %arg1, %mul3A_52 : i32
      %mul3A_54 = arith.constant 632 : i32
      %mul3A_55 = arith.muli %arg1, %mul3A_54 : i32
      "tpu.region"() ({
        %run_scoped3A = tpu.sem_alloc : memref<!tpu.dma_semaphore, #tpu.memory_space<semaphore_mem>>
        %dma_start3A_56 = arith.constant 0 : i32
        %dma_start3A_57 = tpu.memref_slice %arg6[%mul3A_55, %dma_start3A_56] : memref<10112x128xf32, #tpu.memory_space<hbm>> -> memref<632x128xf32, #tpu.memory_space<hbm>>
        %dma_start3A_58 = arith.constant 0 : i32
        %dma_start3A_59 = tpu.memref_slice %arg12[%mul3A_53, %dma_start3A_58] : memref<10112x128xf32, #tpu.memory_space<vmem_shared>> -> memref<632x128xf32, #tpu.memory_space<vmem_shared>>
        tpu.enqueue_dma source(%dma_start3A_59 : memref<632x128xf32, #tpu.memory_space<vmem_shared>>) target(%dma_start3A_57 : memref<632x128xf32, #tpu.memory_space<hbm>>) target_semaphore(%run_scoped3A : memref<!tpu.dma_semaphore, #tpu.memory_space<semaphore_mem>>)
        %dma_wait3A_60 = arith.constant 0 : i32
        %dma_wait3A_61 = tpu.memref_slice %arg6[%mul3A_55, %dma_wait3A_60] : memref<10112x128xf32, #tpu.memory_space<hbm>> -> memref<632x128xf32, #tpu.memory_space<hbm>>
        %dma_wait3A_62 = arith.constant 0 : i32
        %dma_wait3A_63 = tpu.memref_slice %arg12[%mul3A_53, %dma_wait3A_62] : memref<10112x128xf32, #tpu.memory_space<vmem_shared>> -> memref<632x128xf32, #tpu.memory_space<vmem_shared>>
        tpu.wait_dma2 semaphore(%run_scoped3A : memref<!tpu.dma_semaphore, #tpu.memory_space<semaphore_mem>>) src(%dma_wait3A_63 : memref<632x128xf32, #tpu.memory_space<vmem_shared>>) dst(%dma_wait3A_61 : memref<632x128xf32, #tpu.memory_space<hbm>>)
        tpu.yield
      }) : () -> ()
    } else {
    }
    return
  }
}

#map = affine_map<(d0, d1) -> (0, 0)>
#map1 = affine_map<(d0, d1) -> (0)>
module attributes {stable_mosaic.version = 14 : i64} {
  func.func @_scatter_body(%arg0: i32, %arg1: i32, %arg2: memref<10000x128xf32, #tpu.memory_space<hbm>>, %arg3: memref<327680xi32, #tpu.memory_space<hbm>>, %arg4: memref<327680xi32, #tpu.memory_space<hbm>>, %arg5: memref<10112x128xf32, #tpu.memory_space<hbm>>, %arg6: memref<10112x128xf32, #tpu.memory_space<hbm>>, %arg7: memref<10112x128xf32, #tpu.memory_space<hbm>>, %arg8: memref<128xi32, #tpu.memory_space<vmem>>, %arg9: memref<128xi32, #tpu.memory_space<vmem>>, %arg10: memref<128x128xf32, #tpu.memory_space<vmem>>, %arg11: memref<10112x128xf32, #tpu.memory_space<vmem_shared>>, %arg12: memref<!tpu.dma_semaphore, #tpu.memory_space<semaphore_mem>>) attributes {dimension_semantics = [#tpu.dimension_semantics<core_parallel>, #tpu.dimension_semantics<subcore_parallel>], iteration_bounds = array<i64: 2, 16>, scalar_prefetch = 0 : i64, scratch_operands = 5 : i64, tpu.core_type = #tpu.core_type<sc_vector_subcore>, window_params = [{transform_indices = #map}, {transform_indices = #map1}, {transform_indices = #map1}, {transform_indices = #map}, {transform_indices = #map}, {transform_indices = #map}]} {
    %mul3A = arith.constant 632 : i32
    %mul3A_0 = arith.muli %arg1, %mul3A : i32
    %mul3A_1 = arith.constant 632 : i32
    %mul3A_2 = arith.muli %arg1, %mul3A_1 : i32
    "tpu.region"() ({
      %run_scoped3A = tpu.sem_alloc : memref<!tpu.dma_semaphore, #tpu.memory_space<semaphore_mem>>
      %dma_start3A = arith.constant 0 : i32
      %dma_start3A_22 = tpu.memref_slice %arg11[%mul3A_2, %dma_start3A] : memref<10112x128xf32, #tpu.memory_space<vmem_shared>> -> memref<632x128xf32, #tpu.memory_space<vmem_shared>>
      %dma_start3A_23 = arith.constant 0 : i32
      %dma_start3A_24 = tpu.memref_slice %arg5[%mul3A_0, %dma_start3A_23] : memref<10112x128xf32, #tpu.memory_space<hbm>> -> memref<632x128xf32, #tpu.memory_space<hbm>>
      tpu.enqueue_dma source(%dma_start3A_24 : memref<632x128xf32, #tpu.memory_space<hbm>>) target(%dma_start3A_22 : memref<632x128xf32, #tpu.memory_space<vmem_shared>>) target_semaphore(%run_scoped3A : memref<!tpu.dma_semaphore, #tpu.memory_space<semaphore_mem>>)
      %dma_wait3A = arith.constant 0 : i32
      %dma_wait3A_25 = tpu.memref_slice %arg11[%mul3A_2, %dma_wait3A] : memref<10112x128xf32, #tpu.memory_space<vmem_shared>> -> memref<632x128xf32, #tpu.memory_space<vmem_shared>>
      %dma_wait3A_26 = arith.constant 0 : i32
      %dma_wait3A_27 = tpu.memref_slice %arg5[%mul3A_0, %dma_wait3A_26] : memref<10112x128xf32, #tpu.memory_space<hbm>> -> memref<632x128xf32, #tpu.memory_space<hbm>>
      tpu.wait_dma2 semaphore(%run_scoped3A : memref<!tpu.dma_semaphore, #tpu.memory_space<semaphore_mem>>) src(%dma_wait3A_27 : memref<632x128xf32, #tpu.memory_space<hbm>>) dst(%dma_wait3A_25 : memref<632x128xf32, #tpu.memory_space<vmem_shared>>)
      tpu.yield
    }) : () -> ()
    %barrier3A = arith.constant 0 : index
    tpu.barrier barrier_id(%barrier3A)
    %mul3A_3 = arith.constant 16 : i32
    %mul3A_4 = arith.muli %arg0, %mul3A_3 : i32
    %add3A = arith.addi %mul3A_4, %arg1 : i32
    %mul3A_5 = arith.constant 80 : i32
    %mul3A_6 = arith.muli %add3A, %mul3A_5 : i32
    %mul3A_7 = arith.constant 128 : i32
    %mul3A_8 = arith.muli %mul3A_6, %mul3A_7 : i32
    %scan3A = arith.constant 0 : i32
    %scan3A_9 = arith.constant 0 : i32
    %scan3A_10 = arith.constant 80 : i32
    %scan3A_11 = arith.addi %scan3A_9, %scan3A_10 : i32
    %scan3A_12 = arith.constant 1 : i32
    scf.for %scan3A_22 = %scan3A_9 to %scan3A_11 step %scan3A_12  : i32 {
      %mul3A_23 = arith.constant 128 : i32
      %mul3A_24 = arith.muli %scan3A_22, %mul3A_23 : i32
      %add3A_25 = arith.addi %mul3A_8, %mul3A_24 : i32
      "tpu.region"() ({
        %run_scoped3A = tpu.sem_alloc : memref<!tpu.dma_semaphore, #tpu.memory_space<semaphore_mem>>
        %dma_start3A_30 = tpu.memref_slice %arg3[%add3A_25] : memref<327680xi32, #tpu.memory_space<hbm>> -> memref<128xi32, #tpu.memory_space<hbm>>
        %dma_start3A_31 = tpu.memref_slice %arg3[%add3A_25] : memref<327680xi32, #tpu.memory_space<hbm>> -> memref<128xi32, #tpu.memory_space<hbm>>
        tpu.enqueue_dma source(%dma_start3A_31 : memref<128xi32, #tpu.memory_space<hbm>>) target(%arg8 : memref<128xi32, #tpu.memory_space<vmem>>) target_semaphore(%run_scoped3A : memref<!tpu.dma_semaphore, #tpu.memory_space<semaphore_mem>>)
        %dma_wait3A_32 = tpu.memref_slice %arg3[%add3A_25] : memref<327680xi32, #tpu.memory_space<hbm>> -> memref<128xi32, #tpu.memory_space<hbm>>
        %dma_wait3A_33 = tpu.memref_slice %arg3[%add3A_25] : memref<327680xi32, #tpu.memory_space<hbm>> -> memref<128xi32, #tpu.memory_space<hbm>>
        tpu.wait_dma2 semaphore(%run_scoped3A : memref<!tpu.dma_semaphore, #tpu.memory_space<semaphore_mem>>) src(%dma_wait3A_33 : memref<128xi32, #tpu.memory_space<hbm>>) dst(%arg8 : memref<128xi32, #tpu.memory_space<vmem>>)
        tpu.yield
      }) : () -> ()
      "tpu.region"() ({
        %run_scoped3A = tpu.sem_alloc : memref<!tpu.dma_semaphore, #tpu.memory_space<semaphore_mem>>
        %dma_start3A_30 = tpu.memref_slice %arg4[%add3A_25] : memref<327680xi32, #tpu.memory_space<hbm>> -> memref<128xi32, #tpu.memory_space<hbm>>
        %dma_start3A_31 = tpu.memref_slice %arg4[%add3A_25] : memref<327680xi32, #tpu.memory_space<hbm>> -> memref<128xi32, #tpu.memory_space<hbm>>
        tpu.enqueue_dma source(%dma_start3A_31 : memref<128xi32, #tpu.memory_space<hbm>>) target(%arg9 : memref<128xi32, #tpu.memory_space<vmem>>) target_semaphore(%run_scoped3A : memref<!tpu.dma_semaphore, #tpu.memory_space<semaphore_mem>>)
        %dma_wait3A_32 = tpu.memref_slice %arg4[%add3A_25] : memref<327680xi32, #tpu.memory_space<hbm>> -> memref<128xi32, #tpu.memory_space<hbm>>
        %dma_wait3A_33 = tpu.memref_slice %arg4[%add3A_25] : memref<327680xi32, #tpu.memory_space<hbm>> -> memref<128xi32, #tpu.memory_space<hbm>>
        tpu.wait_dma2 semaphore(%run_scoped3A : memref<!tpu.dma_semaphore, #tpu.memory_space<semaphore_mem>>) src(%dma_wait3A_33 : memref<128xi32, #tpu.memory_space<hbm>>) dst(%arg9 : memref<128xi32, #tpu.memory_space<vmem>>)
        tpu.yield
      }) : () -> ()
      %dma_start3A = arith.constant 0 : i32
      %dma_start3A_26 = arith.constant 0 : i32
      %dma_start3A_27 = tpu.memref_slice %arg2[%dma_start3A, %dma_start3A_26] : memref<10000x128xf32, #tpu.memory_space<hbm>> -> memref<10000x128xf32, #tpu.memory_space<hbm>>
      tpu.enqueue_indirect_dma source(%dma_start3A_27 : memref<10000x128xf32, #tpu.memory_space<hbm>>) target(%arg10 : memref<128x128xf32, #tpu.memory_space<vmem>>) offsets(%arg8 : memref<128xi32, #tpu.memory_space<vmem>>) semaphore(%arg12 : memref<!tpu.dma_semaphore, #tpu.memory_space<semaphore_mem>>)
      %dma_wait3A = arith.constant 0 : i32
      %dma_wait3A_28 = arith.constant 0 : i32
      %dma_wait3A_29 = tpu.memref_slice %arg2[%dma_wait3A, %dma_wait3A_28] : memref<10000x128xf32, #tpu.memory_space<hbm>> -> memref<10000x128xf32, #tpu.memory_space<hbm>>
      tpu.wait_indirect_dma semaphore(%arg12 : memref<!tpu.dma_semaphore, #tpu.memory_space<semaphore_mem>>) src(%dma_wait3A_29 : memref<10000x128xf32, #tpu.memory_space<hbm>>) dst(%arg10 : memref<128x128xf32, #tpu.memory_space<vmem>>)
      "tpu.region"() ({
        %run_scoped3A = tpu.sem_alloc : memref<!tpu.dma_semaphore, #tpu.memory_space<semaphore_mem>>
        %dma_start3A_30 = arith.constant 0 : i32
        %dma_start3A_31 = arith.constant 0 : i32
        %dma_start3A_32 = tpu.memref_slice %arg11[%dma_start3A_30, %dma_start3A_31] : memref<10112x128xf32, #tpu.memory_space<vmem_shared>> -> memref<10112x128xf32, #tpu.memory_space<vmem_shared>>
        tpu.enqueue_indirect_dma source(%arg10 : memref<128x128xf32, #tpu.memory_space<vmem>>) target(%dma_start3A_32 : memref<10112x128xf32, #tpu.memory_space<vmem_shared>>) offsets(%arg9 : memref<128xi32, #tpu.memory_space<vmem>>) semaphore(%run_scoped3A : memref<!tpu.dma_semaphore, #tpu.memory_space<semaphore_mem>>) {add = true}
        %dma_wait3A_33 = arith.constant 0 : i32
        %dma_wait3A_34 = arith.constant 0 : i32
        %dma_wait3A_35 = tpu.memref_slice %arg11[%dma_wait3A_33, %dma_wait3A_34] : memref<10112x128xf32, #tpu.memory_space<vmem_shared>> -> memref<10112x128xf32, #tpu.memory_space<vmem_shared>>
        tpu.wait_indirect_dma semaphore(%run_scoped3A : memref<!tpu.dma_semaphore, #tpu.memory_space<semaphore_mem>>) src(%arg10 : memref<128x128xf32, #tpu.memory_space<vmem>>) dst(%dma_wait3A_35 : memref<10112x128xf32, #tpu.memory_space<vmem_shared>>)
        tpu.yield
      }) : () -> ()
    }
    %scan3A_13 = arith.constant 80 : i32
    %barrier3A_14 = arith.constant 0 : index
    tpu.barrier barrier_id(%barrier3A_14)
    %eq3A = arith.constant 0 : i32
    %eq3A_15 = arith.cmpi eq, %arg0, %eq3A : i32
    %convert_element_type3A = arith.extui %eq3A_15 : i1 to i32
    %cond3A = arith.constant 0 : i32
    %cond3A_16 = arith.cmpi ne, %convert_element_type3A, %cond3A : i32
    scf.if %cond3A_16 {
      %mul3A_22 = arith.constant 632 : i32
      %mul3A_23 = arith.muli %arg1, %mul3A_22 : i32
      %mul3A_24 = arith.constant 632 : i32
      %mul3A_25 = arith.muli %arg1, %mul3A_24 : i32
      "tpu.region"() ({
        %run_scoped3A = tpu.sem_alloc : memref<!tpu.dma_semaphore, #tpu.memory_space<semaphore_mem>>
        %dma_start3A = arith.constant 0 : i32
        %dma_start3A_26 = tpu.memref_slice %arg6[%mul3A_25, %dma_start3A] : memref<10112x128xf32, #tpu.memory_space<hbm>> -> memref<632x128xf32, #tpu.memory_space<hbm>>
        %dma_start3A_27 = arith.constant 0 : i32
        %dma_start3A_28 = tpu.memref_slice %arg11[%mul3A_23, %dma_start3A_27] : memref<10112x128xf32, #tpu.memory_space<vmem_shared>> -> memref<632x128xf32, #tpu.memory_space<vmem_shared>>
        tpu.enqueue_dma source(%dma_start3A_28 : memref<632x128xf32, #tpu.memory_space<vmem_shared>>) target(%dma_start3A_26 : memref<632x128xf32, #tpu.memory_space<hbm>>) target_semaphore(%run_scoped3A : memref<!tpu.dma_semaphore, #tpu.memory_space<semaphore_mem>>)
        %dma_wait3A = arith.constant 0 : i32
        %dma_wait3A_29 = tpu.memref_slice %arg6[%mul3A_25, %dma_wait3A] : memref<10112x128xf32, #tpu.memory_space<hbm>> -> memref<632x128xf32, #tpu.memory_space<hbm>>
        %dma_wait3A_30 = arith.constant 0 : i32
        %dma_wait3A_31 = tpu.memref_slice %arg11[%mul3A_23, %dma_wait3A_30] : memref<10112x128xf32, #tpu.memory_space<vmem_shared>> -> memref<632x128xf32, #tpu.memory_space<vmem_shared>>
        tpu.wait_dma2 semaphore(%run_scoped3A : memref<!tpu.dma_semaphore, #tpu.memory_space<semaphore_mem>>) src(%dma_wait3A_31 : memref<632x128xf32, #tpu.memory_space<vmem_shared>>) dst(%dma_wait3A_29 : memref<632x128xf32, #tpu.memory_space<hbm>>)
        tpu.yield
      }) : () -> ()
    } else {
    }
    %eq3A_17 = arith.constant 1 : i32
    %eq3A_18 = arith.cmpi eq, %arg0, %eq3A_17 : i32
    %convert_element_type3A_19 = arith.extui %eq3A_18 : i1 to i32
    %cond3A_20 = arith.constant 0 : i32
    %cond3A_21 = arith.cmpi ne, %convert_element_type3A_19, %cond3A_20 : i32
    scf.if %cond3A_21 {
      %mul3A_22 = arith.constant 632 : i32
      %mul3A_23 = arith.muli %arg1, %mul3A_22 : i32
      %mul3A_24 = arith.constant 632 : i32
      %mul3A_25 = arith.muli %arg1, %mul3A_24 : i32
      "tpu.region"() ({
        %run_scoped3A = tpu.sem_alloc : memref<!tpu.dma_semaphore, #tpu.memory_space<semaphore_mem>>
        %dma_start3A = arith.constant 0 : i32
        %dma_start3A_26 = tpu.memref_slice %arg7[%mul3A_25, %dma_start3A] : memref<10112x128xf32, #tpu.memory_space<hbm>> -> memref<632x128xf32, #tpu.memory_space<hbm>>
        %dma_start3A_27 = arith.constant 0 : i32
        %dma_start3A_28 = tpu.memref_slice %arg11[%mul3A_23, %dma_start3A_27] : memref<10112x128xf32, #tpu.memory_space<vmem_shared>> -> memref<632x128xf32, #tpu.memory_space<vmem_shared>>
        tpu.enqueue_dma source(%dma_start3A_28 : memref<632x128xf32, #tpu.memory_space<vmem_shared>>) target(%dma_start3A_26 : memref<632x128xf32, #tpu.memory_space<hbm>>) target_semaphore(%run_scoped3A : memref<!tpu.dma_semaphore, #tpu.memory_space<semaphore_mem>>)
        %dma_wait3A = arith.constant 0 : i32
        %dma_wait3A_29 = tpu.memref_slice %arg7[%mul3A_25, %dma_wait3A] : memref<10112x128xf32, #tpu.memory_space<hbm>> -> memref<632x128xf32, #tpu.memory_space<hbm>>
        %dma_wait3A_30 = arith.constant 0 : i32
        %dma_wait3A_31 = tpu.memref_slice %arg11[%mul3A_23, %dma_wait3A_30] : memref<10112x128xf32, #tpu.memory_space<vmem_shared>> -> memref<632x128xf32, #tpu.memory_space<vmem_shared>>
        tpu.wait_dma2 semaphore(%run_scoped3A : memref<!tpu.dma_semaphore, #tpu.memory_space<semaphore_mem>>) src(%dma_wait3A_31 : memref<632x128xf32, #tpu.memory_space<vmem_shared>>) dst(%dma_wait3A_29 : memref<632x128xf32, #tpu.memory_space<hbm>>)
        tpu.yield
      }) : () -> ()
    } else {
    }
    return
  }
}

module attributes {stable_mosaic.version = 14 : i64} {
  func.func @_p1_body(%arg0: i32, %arg1: memref<200x128xf32, #tpu.memory_space<vmem>>, %arg2: memref<200x128xf32, #tpu.memory_space<vmem>>, %arg3: memref<200x128xf32, #tpu.memory_space<vmem>>, %arg4: memref<128x128xf32, #tpu.memory_space<vmem>>, %arg5: memref<200x128xf32, #tpu.memory_space<vmem>>, %arg6: memref<200x128xf32, #tpu.memory_space<vmem>>) attributes {dimension_semantics = [#tpu.dimension_semantics<arbitrary>], iteration_bounds = array<i64: 50>, scalar_prefetch = 0 : i64, scratch_operands = 0 : i64, tpu.core_type = #tpu.core_type<tc>, window_params = [{transform_indices = @transform_0, window_bounds = array<i64: 200, 128>}, {transform_indices = @transform_1, window_bounds = array<i64: 200, 128>}, {transform_indices = @transform_2, window_bounds = array<i64: 200, 128>}, {pipeline_mode = #tpu.pipeline_mode<synchronous>, transform_indices = @transform_3, window_bounds = array<i64: 128, 128>}, {transform_indices = @transform_4, window_bounds = array<i64: 200, 128>}, {transform_indices = @transform_5, window_bounds = array<i64: 200, 128>}]} {
    %get3A = arith.constant 0 : index
    %get3A_0 = arith.constant 0 : index
    %get3A_1 = vector.load %arg2[%get3A, %get3A_0] : memref<200x128xf32, #tpu.memory_space<vmem>>, vector<200x1xf32>
    %get3A_2 = arith.constant 0 : index
    %get3A_3 = arith.constant 0 : index
    %get3A_4 = vector.load %arg3[%get3A_2, %get3A_3] : memref<200x128xf32, #tpu.memory_space<vmem>>, vector<200x1xf32>
    %add3A = arith.addf %get3A_1, %get3A_4 : vector<200x1xf32>
    %add3A_5 = arith.constant 1.000000e+00 : f32
    %add3A_6 = vector.broadcast %add3A_5 : f32 to vector<200x1xf32>
    %add3A_7 = arith.addf %add3A, %add3A_6 : vector<200x1xf32>
    %rsqrt3A = math.rsqrt %add3A_7 : vector<200x1xf32>
    %get3A_8 = arith.constant 0 : index
    %get3A_9 = arith.constant 0 : index
    %get3A_10 = vector.load %arg1[%get3A_8, %get3A_9] : memref<200x128xf32, #tpu.memory_space<vmem>>, vector<200x128xf32>
    %get3A_11 = arith.constant 0 : index
    %get3A_12 = arith.constant 0 : index
    %get3A_13 = vector.load %arg4[%get3A_11, %get3A_12] : memref<128x128xf32, #tpu.memory_space<vmem>>, vector<128x128xf32>
    %dot_general3A = arith.constant dense<0.000000e+00> : vector<200x128xf32>
    %dot_general3A_14 = tpu.matmul %get3A_10, %get3A_13, %dot_general3A {dimension_numbers = #tpu.dot_dimension_numbers<[1], [0], [0], [1], [0, 0, 1, 1], [], []>, transpose_lhs_hint = false} : vector<200x128xf32>, vector<128x128xf32>, vector<200x128xf32> -> vector<200x128xf32>
    %mul3A = vector.broadcast %rsqrt3A : vector<200x1xf32> to vector<200x128xf32>
    %mul3A_15 = arith.mulf %mul3A, %dot_general3A_14 : vector<200x128xf32>
    %swap3A = arith.constant 0 : index
    %swap3A_16 = arith.constant 0 : index
    %swap3A_17 = vector.load %arg5[%swap3A, %swap3A_16] : memref<200x128xf32, #tpu.memory_space<vmem>>, vector<200x128xf32>
    tpu.vector_store %arg5[%swap3A, %swap3A_16], %mul3A_15 {strides = array<i32>} : memref<200x128xf32, #tpu.memory_space<vmem>>, vector<200x128xf32>,
    %broadcast_in_dim3A = vector.shape_cast %rsqrt3A : vector<200x1xf32> to vector<200x1xf32>
    %broadcast_in_dim3A_18 = vector.broadcast %broadcast_in_dim3A : vector<200x1xf32> to vector<200x128xf32>
    %swap3A_19 = arith.constant 0 : index
    %swap3A_20 = arith.constant 0 : index
    %swap3A_21 = vector.load %arg6[%swap3A_19, %swap3A_20] : memref<200x128xf32, #tpu.memory_space<vmem>>, vector<200x128xf32>
    tpu.vector_store %arg6[%swap3A_19, %swap3A_20], %broadcast_in_dim3A_18 {strides = array<i32>} : memref<200x128xf32, #tpu.memory_space<vmem>>, vector<200x128xf32>,
    return
  }
  func.func @transform_0(%arg0: i32) -> (i32, i32) {
    %c0_i32 = arith.constant 0 : i32
    %c0_i32_0 = arith.constant 0 : i32
    return %arg0, %c0_i32 : i32, i32
  }
  func.func @transform_1(%arg0: i32) -> (i32, i32) {
    %c0_i32 = arith.constant 0 : i32
    %c0_i32_0 = arith.constant 0 : i32
    return %arg0, %c0_i32 : i32, i32
  }
  func.func @transform_2(%arg0: i32) -> (i32, i32) {
    %c0_i32 = arith.constant 0 : i32
    %c0_i32_0 = arith.constant 0 : i32
    return %arg0, %c0_i32 : i32, i32
  }
  func.func @transform_3(%arg0: i32) -> (i32, i32) {
    %c0_i32 = arith.constant 0 : i32
    %c0_i32_0 = arith.constant 0 : i32
    %c0_i32_1 = arith.constant 0 : i32
    return %c0_i32, %c0_i32_0 : i32, i32
  }
  func.func @transform_4(%arg0: i32) -> (i32, i32) {
    %c0_i32 = arith.constant 0 : i32
    %c0_i32_0 = arith.constant 0 : i32
    return %arg0, %c0_i32 : i32, i32
  }
  func.func @transform_5(%arg0: i32) -> (i32, i32) {
    %c0_i32 = arith.constant 0 : i32
    %c0_i32_0 = arith.constant 0 : i32
    return %arg0, %c0_i32 : i32, i32
  }
}

module attributes {stable_mosaic.version = 14 : i64} {
  func.func @_p3_body(%arg0: i32, %arg1: memref<200x128xf32, #tpu.memory_space<vmem>>, %arg2: memref<200x128xf32, #tpu.memory_space<vmem>>, %arg3: memref<200x128xf32, #tpu.memory_space<vmem>>, %arg4: memref<200x128xf32, #tpu.memory_space<vmem>>, %arg5: memref<1x128xf32, #tpu.memory_space<vmem>>, %arg6: memref<128x128xf32, #tpu.memory_space<vmem>>, %arg7: memref<200x128xf32, #tpu.memory_space<vmem>>) attributes {dimension_semantics = [#tpu.dimension_semantics<arbitrary>], iteration_bounds = array<i64: 50>, scalar_prefetch = 0 : i64, scratch_operands = 0 : i64, tpu.core_type = #tpu.core_type<tc>, window_params = [{transform_indices = @transform_0, window_bounds = array<i64: 200, 128>}, {transform_indices = @transform_1, window_bounds = array<i64: 200, 128>}, {transform_indices = @transform_2, window_bounds = array<i64: 200, 128>}, {transform_indices = @transform_3, window_bounds = array<i64: 200, 128>}, {pipeline_mode = #tpu.pipeline_mode<synchronous>, transform_indices = @transform_4, window_bounds = array<i64: 1, 128>}, {pipeline_mode = #tpu.pipeline_mode<synchronous>, transform_indices = @transform_5, window_bounds = array<i64: 128, 128>}, {transform_indices = @transform_6, window_bounds = array<i64: 200, 128>}]} {
    %get3A = arith.constant 0 : index
    %get3A_0 = arith.constant 0 : index
    %get3A_1 = vector.load %arg4[%get3A, %get3A_0] : memref<200x128xf32, #tpu.memory_space<vmem>>, vector<200x128xf32>
    %get3A_2 = arith.constant 0 : index
    %get3A_3 = arith.constant 0 : index
    %get3A_4 = vector.load %arg1[%get3A_2, %get3A_3] : memref<200x128xf32, #tpu.memory_space<vmem>>, vector<200x128xf32>
    %get3A_5 = arith.constant 0 : index
    %get3A_6 = arith.constant 0 : index
    %get3A_7 = vector.load %arg2[%get3A_5, %get3A_6] : memref<200x128xf32, #tpu.memory_space<vmem>>, vector<200x128xf32>
    %add3A = arith.addf %get3A_4, %get3A_7 : vector<200x128xf32>
    %get3A_8 = arith.constant 0 : index
    %get3A_9 = arith.constant 0 : index
    %get3A_10 = vector.load %arg3[%get3A_8, %get3A_9] : memref<200x128xf32, #tpu.memory_space<vmem>>, vector<200x128xf32>
    %add3A_11 = arith.addf %add3A, %get3A_10 : vector<200x128xf32>
    %mul3A = arith.mulf %get3A_1, %add3A_11 : vector<200x128xf32>
    %get3A_12 = arith.constant 0 : index
    %get3A_13 = arith.constant 0 : index
    %get3A_14 = vector.load %arg5[%get3A_12, %get3A_13] : memref<1x128xf32, #tpu.memory_space<vmem>>, vector<1x128xf32>
    %add3A_15 = vector.broadcast %get3A_14 : vector<1x128xf32> to vector<200x128xf32>
    %add3A_16 = arith.addf %mul3A, %add3A_15 : vector<200x128xf32>
    %max3A = arith.constant 0.000000e+00 : f32
    %max3A_17 = vector.broadcast %max3A : f32 to vector<200x128xf32>
    %max3A_18 = arith.maximumf %add3A_16, %max3A_17 : vector<200x128xf32>
    %get3A_19 = arith.constant 0 : index
    %get3A_20 = arith.constant 0 : index
    %get3A_21 = vector.load %arg4[%get3A_19, %get3A_20] : memref<200x128xf32, #tpu.memory_space<vmem>>, vector<200x128xf32>
    %get3A_22 = arith.constant 0 : index
    %get3A_23 = arith.constant 0 : index
    %get3A_24 = vector.load %arg6[%get3A_22, %get3A_23] : memref<128x128xf32, #tpu.memory_space<vmem>>, vector<128x128xf32>
    %dot_general3A = arith.constant dense<0.000000e+00> : vector<200x128xf32>
    %dot_general3A_25 = tpu.matmul %max3A_18, %get3A_24, %dot_general3A {dimension_numbers = #tpu.dot_dimension_numbers<[1], [0], [0], [1], [0, 0, 1, 1], [], []>, transpose_lhs_hint = false} : vector<200x128xf32>, vector<128x128xf32>, vector<200x128xf32> -> vector<200x128xf32>
    %mul3A_26 = arith.mulf %get3A_21, %dot_general3A_25 : vector<200x128xf32>
    %swap3A = arith.constant 0 : index
    %swap3A_27 = arith.constant 0 : index
    %swap3A_28 = vector.load %arg7[%swap3A, %swap3A_27] : memref<200x128xf32, #tpu.memory_space<vmem>>, vector<200x128xf32>
    tpu.vector_store %arg7[%swap3A, %swap3A_27], %mul3A_26 {strides = array<i32>} : memref<200x128xf32, #tpu.memory_space<vmem>>, vector<200x128xf32>,
    return
  }
  func.func @transform_0(%arg0: i32) -> (i32, i32) {
    %c0_i32 = arith.constant 0 : i32
    %c0_i32_0 = arith.constant 0 : i32
    return %arg0, %c0_i32 : i32, i32
  }
  func.func @transform_1(%arg0: i32) -> (i32, i32) {
    %c0_i32 = arith.constant 0 : i32
    %c0_i32_0 = arith.constant 0 : i32
    return %arg0, %c0_i32 : i32, i32
  }
  func.func @transform_2(%arg0: i32) -> (i32, i32) {
    %c0_i32 = arith.constant 0 : i32
    %c0_i32_0 = arith.constant 0 : i32
    return %arg0, %c0_i32 : i32, i32
  }
  func.func @transform_3(%arg0: i32) -> (i32, i32) {
    %c0_i32 = arith.constant 0 : i32
    %c0_i32_0 = arith.constant 0 : i32
    return %arg0, %c0_i32 : i32, i32
  }
  func.func @transform_4(%arg0: i32) -> (i32, i32) {
    %c0_i32 = arith.constant 0 : i32
    %c0_i32_0 = arith.constant 0 : i32
    %c0_i32_1 = arith.constant 0 : i32
    return %c0_i32, %c0_i32_0 : i32, i32
  }
  func.func @transform_5(%arg0: i32) -> (i32, i32) {
    %c0_i32 = arith.constant 0 : i32
    %c0_i32_0 = arith.constant 0 : i32
    %c0_i32_1 = arith.constant 0 : i32
    return %c0_i32, %c0_i32_0 : i32, i32
  }
  func.func @transform_6(%arg0: i32) -> (i32, i32) {
    %c0_i32 = arith.constant 0 : i32
    %c0_i32_0 = arith.constant 0 : i32
    return %arg0, %c0_i32 : i32, i32
  }
}

module attributes {stable_mosaic.version = 14 : i64} {
  func.func @_p5_body(%arg0: i32, %arg1: memref<200x128xf32, #tpu.memory_space<vmem>>, %arg2: memref<200x128xf32, #tpu.memory_space<vmem>>, %arg3: memref<200x128xf32, #tpu.memory_space<vmem>>, %arg4: memref<200x128xf32, #tpu.memory_space<vmem>>, %arg5: memref<1x128xf32, #tpu.memory_space<vmem>>, %arg6: memref<200x64xf32, #tpu.memory_space<vmem>>, %arg7: memref<128x128xf32, #tpu.memory_space<vmem>>, %arg8: memref<1x128xf32, #tpu.memory_space<vmem>>, %arg9: memref<64x128xf32, #tpu.memory_space<vmem>>, %arg10: memref<64x128xf32, #tpu.memory_space<vmem>>, %arg11: memref<64x128xf32, #tpu.memory_space<vmem>>) attributes {dimension_semantics = [#tpu.dimension_semantics<arbitrary>], iteration_bounds = array<i64: 50>, scalar_prefetch = 0 : i64, scratch_operands = 2 : i64, tpu.core_type = #tpu.core_type<tc>, window_params = [{transform_indices = @transform_0, window_bounds = array<i64: 200, 128>}, {transform_indices = @transform_1, window_bounds = array<i64: 200, 128>}, {transform_indices = @transform_2, window_bounds = array<i64: 200, 128>}, {transform_indices = @transform_3, window_bounds = array<i64: 200, 128>}, {pipeline_mode = #tpu.pipeline_mode<synchronous>, transform_indices = @transform_4, window_bounds = array<i64: 1, 128>}, {transform_indices = @transform_5, window_bounds = array<i64: 200, 64>}, {pipeline_mode = #tpu.pipeline_mode<synchronous>, transform_indices = @transform_6, window_bounds = array<i64: 128, 128>}, {pipeline_mode = #tpu.pipeline_mode<synchronous>, transform_indices = @transform_7, window_bounds = array<i64: 1, 128>}, {pipeline_mode = #tpu.pipeline_mode<synchronous>, transform_indices = @transform_8, window_bounds = array<i64: 64, 128>}]} {
    %eq3A = arith.constant 0 : i32
    %eq3A_0 = arith.cmpi eq, %arg0, %eq3A : i32
    %convert_element_type3A = arith.extui %eq3A_0 : i1 to i32
    %cond3A = arith.constant 0 : i32
    %cond3A_1 = arith.cmpi ne, %convert_element_type3A, %cond3A : i32
    scf.if %cond3A_1 {
      %broadcast_in_dim3A_50 = arith.constant 0.000000e+00 : f32
      %broadcast_in_dim3A_51 = vector.broadcast %broadcast_in_dim3A_50 : f32 to vector<64x128xf32>
      %swap3A_52 = arith.constant 0 : index
      %swap3A_53 = arith.constant 0 : index
      %swap3A_54 = vector.load %arg10[%swap3A_52, %swap3A_53] : memref<64x128xf32, #tpu.memory_space<vmem>>, vector<64x128xf32>
      tpu.vector_store %arg10[%swap3A_52, %swap3A_53], %broadcast_in_dim3A_51 {strides = array<i32>} : memref<64x128xf32, #tpu.memory_space<vmem>>, vector<64x128xf32>,
      %broadcast_in_dim3A_55 = arith.constant 0.000000e+00 : f32
      %broadcast_in_dim3A_56 = vector.broadcast %broadcast_in_dim3A_55 : f32 to vector<64x128xf32>
      %swap3A_57 = arith.constant 0 : index
      %swap3A_58 = arith.constant 0 : index
      %swap3A_59 = vector.load %arg11[%swap3A_57, %swap3A_58] : memref<64x128xf32, #tpu.memory_space<vmem>>, vector<64x128xf32>
      tpu.vector_store %arg11[%swap3A_57, %swap3A_58], %broadcast_in_dim3A_56 {strides = array<i32>} : memref<64x128xf32, #tpu.memory_space<vmem>>, vector<64x128xf32>,
    } else {
    }
    %get3A = arith.constant 0 : index
    %get3A_2 = arith.constant 0 : index
    %get3A_3 = vector.load %arg4[%get3A, %get3A_2] : memref<200x128xf32, #tpu.memory_space<vmem>>, vector<200x128xf32>
    %get3A_4 = arith.constant 0 : index
    %get3A_5 = arith.constant 0 : index
    %get3A_6 = vector.load %arg1[%get3A_4, %get3A_5] : memref<200x128xf32, #tpu.memory_space<vmem>>, vector<200x128xf32>
    %get3A_7 = arith.constant 0 : index
    %get3A_8 = arith.constant 0 : index
    %get3A_9 = vector.load %arg2[%get3A_7, %get3A_8] : memref<200x128xf32, #tpu.memory_space<vmem>>, vector<200x128xf32>
    %add3A = arith.addf %get3A_6, %get3A_9 : vector<200x128xf32>
    %get3A_10 = arith.constant 0 : index
    %get3A_11 = arith.constant 0 : index
    %get3A_12 = vector.load %arg3[%get3A_10, %get3A_11] : memref<200x128xf32, #tpu.memory_space<vmem>>, vector<200x128xf32>
    %add3A_13 = arith.addf %add3A, %get3A_12 : vector<200x128xf32>
    %mul3A = arith.mulf %get3A_3, %add3A_13 : vector<200x128xf32>
    %get3A_14 = arith.constant 0 : index
    %get3A_15 = arith.constant 0 : index
    %get3A_16 = vector.load %arg5[%get3A_14, %get3A_15] : memref<1x128xf32, #tpu.memory_space<vmem>>, vector<1x128xf32>
    %add3A_17 = vector.broadcast %get3A_16 : vector<1x128xf32> to vector<200x128xf32>
    %add3A_18 = arith.addf %mul3A, %add3A_17 : vector<200x128xf32>
    %max3A = arith.constant 0.000000e+00 : f32
    %max3A_19 = vector.broadcast %max3A : f32 to vector<200x128xf32>
    %max3A_20 = arith.maximumf %add3A_18, %max3A_19 : vector<200x128xf32>
    %iota3A = tpu.iota {dimensions = array<i32: 1>} : vector<200x64xi32>
    %convert_element_type3A_21 = arith.sitofp %iota3A : vector<200x64xi32> to vector<200x64xf32>
    %get3A_22 = arith.constant 0 : index
    %get3A_23 = arith.constant 0 : index
    %get3A_24 = vector.load %arg6[%get3A_22, %get3A_23] : memref<200x64xf32, #tpu.memory_space<vmem>>, vector<200x64xf32>
    %eq3A_25 = arith.cmpf oeq, %get3A_24, %convert_element_type3A_21 : vector<200x64xf32>
    %convert_element_type3A_26 = arith.extui %eq3A_25 : vector<200x64xi1> to vector<200x64xi32>
    %convert_element_type3A_27 = arith.sitofp %convert_element_type3A_26 : vector<200x64xi32> to vector<200x64xf32>
    %get3A_28 = arith.constant 0 : index
    %get3A_29 = arith.constant 0 : index
    %get3A_30 = vector.load %arg10[%get3A_28, %get3A_29] : memref<64x128xf32, #tpu.memory_space<vmem>>, vector<64x128xf32>
    %dot_general3A = arith.constant dense<0.000000e+00> : vector<64x128xf32>
    %dot_general3A_31 = tpu.matmul %convert_element_type3A_27, %max3A_20, %dot_general3A {dimension_numbers = #tpu.dot_dimension_numbers<[0], [0], [1], [1], [0, 1, 1, 1], [], []>, transpose_lhs_hint = false} : vector<200x64xf32>, vector<200x128xf32>, vector<64x128xf32> -> vector<64x128xf32>
    %add3A_32 = arith.addf %get3A_30, %dot_general3A_31 : vector<64x128xf32>
    %swap3A = arith.constant 0 : index
    %swap3A_33 = arith.constant 0 : index
    %swap3A_34 = vector.load %arg10[%swap3A, %swap3A_33] : memref<64x128xf32, #tpu.memory_space<vmem>>, vector<64x128xf32>
    tpu.vector_store %arg10[%swap3A, %swap3A_33], %add3A_32 {strides = array<i32>} : memref<64x128xf32, #tpu.memory_space<vmem>>, vector<64x128xf32>,
    %get3A_35 = arith.constant 0 : index
    %get3A_36 = arith.constant 0 : index
    %get3A_37 = vector.load %arg11[%get3A_35, %get3A_36] : memref<64x128xf32, #tpu.memory_space<vmem>>, vector<64x128xf32>
    %broadcast_in_dim3A = arith.constant 1.000000e+00 : f32
    %broadcast_in_dim3A_38 = vector.broadcast %broadcast_in_dim3A : f32 to vector<200x128xf32>
    %dot_general3A_39 = arith.constant dense<0.000000e+00> : vector<64x128xf32>
    %dot_general3A_40 = tpu.matmul %convert_element_type3A_27, %broadcast_in_dim3A_38, %dot_general3A_39 {dimension_numbers = #tpu.dot_dimension_numbers<[0], [0], [1], [1], [0, 1, 1, 1], [], []>, transpose_lhs_hint = false} : vector<200x64xf32>, vector<200x128xf32>, vector<64x128xf32> -> vector<64x128xf32>
    %add3A_41 = arith.addf %get3A_37, %dot_general3A_40 : vector<64x128xf32>
    %swap3A_42 = arith.constant 0 : index
    %swap3A_43 = arith.constant 0 : index
    %swap3A_44 = vector.load %arg11[%swap3A_42, %swap3A_43] : memref<64x128xf32, #tpu.memory_space<vmem>>, vector<64x128xf32>
    tpu.vector_store %arg11[%swap3A_42, %swap3A_43], %add3A_41 {strides = array<i32>} : memref<64x128xf32, #tpu.memory_space<vmem>>, vector<64x128xf32>,
    %eq3A_45 = arith.constant 49 : i32
    %eq3A_46 = arith.cmpi eq, %arg0, %eq3A_45 : i32
    %convert_element_type3A_47 = arith.extui %eq3A_46 : i1 to i32
    %cond3A_48 = arith.constant 0 : i32
    %cond3A_49 = arith.cmpi ne, %convert_element_type3A_47, %cond3A_48 : i32
    scf.if %cond3A_49 {
      %get3A_50 = arith.constant 0 : index
      %get3A_51 = arith.constant 0 : index
      %get3A_52 = vector.load %arg10[%get3A_50, %get3A_51] : memref<64x128xf32, #tpu.memory_space<vmem>>, vector<64x128xf32>
      %get3A_53 = arith.constant 0 : index
      %get3A_54 = arith.constant 0 : index
      %get3A_55 = vector.load %arg11[%get3A_53, %get3A_54] : memref<64x128xf32, #tpu.memory_space<vmem>>, vector<64x128xf32>
      %max3A_56 = arith.constant 1.000000e+00 : f32
      %max3A_57 = vector.broadcast %max3A_56 : f32 to vector<64x128xf32>
      %max3A_58 = arith.maximumf %get3A_55, %max3A_57 : vector<64x128xf32>
      %div3A = arith.divf %get3A_52, %max3A_58 : vector<64x128xf32>
      %get3A_59 = arith.constant 0 : index
      %get3A_60 = arith.constant 0 : index
      %get3A_61 = vector.load %arg7[%get3A_59, %get3A_60] : memref<128x128xf32, #tpu.memory_space<vmem>>, vector<128x128xf32>
      %dot_general3A_62 = arith.constant dense<0.000000e+00> : vector<64x128xf32>
      %dot_general3A_63 = tpu.matmul %div3A, %get3A_61, %dot_general3A_62 {dimension_numbers = #tpu.dot_dimension_numbers<[1], [0], [0], [1], [0, 0, 1, 1], [], []>, transpose_lhs_hint = false} : vector<64x128xf32>, vector<128x128xf32>, vector<64x128xf32> -> vector<64x128xf32>
      %get3A_64 = arith.constant 0 : index
      %get3A_65 = arith.constant 0 : index
      %get3A_66 = vector.load %arg8[%get3A_64, %get3A_65] : memref<1x128xf32, #tpu.memory_space<vmem>>, vector<1x128xf32>
      %add3A_67 = vector.broadcast %get3A_66 : vector<1x128xf32> to vector<64x128xf32>
      %add3A_68 = arith.addf %dot_general3A_63, %add3A_67 : vector<64x128xf32>
      %max3A_69 = arith.constant 0.000000e+00 : f32
      %max3A_70 = vector.broadcast %max3A_69 : f32 to vector<64x128xf32>
      %max3A_71 = arith.maximumf %add3A_68, %max3A_70 : vector<64x128xf32>
      %swap3A_72 = arith.constant 0 : index
      %swap3A_73 = arith.constant 0 : index
      %swap3A_74 = vector.load %arg9[%swap3A_72, %swap3A_73] : memref<64x128xf32, #tpu.memory_space<vmem>>, vector<64x128xf32>
      tpu.vector_store %arg9[%swap3A_72, %swap3A_73], %max3A_71 {strides = array<i32>} : memref<64x128xf32, #tpu.memory_space<vmem>>, vector<64x128xf32>,
    } else {
    }
    return
  }
  func.func @transform_0(%arg0: i32) -> (i32, i32) {
    %c0_i32 = arith.constant 0 : i32
    %c0_i32_0 = arith.constant 0 : i32
    return %arg0, %c0_i32 : i32, i32
  }
  func.func @transform_1(%arg0: i32) -> (i32, i32) {
    %c0_i32 = arith.constant 0 : i32
    %c0_i32_0 = arith.constant 0 : i32
    return %arg0, %c0_i32 : i32, i32
  }
  func.func @transform_2(%arg0: i32) -> (i32, i32) {
    %c0_i32 = arith.constant 0 : i32
    %c0_i32_0 = arith.constant 0 : i32
    return %arg0, %c0_i32 : i32, i32
  }
  func.func @transform_3(%arg0: i32) -> (i32, i32) {
    %c0_i32 = arith.constant 0 : i32
    %c0_i32_0 = arith.constant 0 : i32
    return %arg0, %c0_i32 : i32, i32
  }
  func.func @transform_4(%arg0: i32) -> (i32, i32) {
    %c0_i32 = arith.constant 0 : i32
    %c0_i32_0 = arith.constant 0 : i32
    %c0_i32_1 = arith.constant 0 : i32
    return %c0_i32, %c0_i32_0 : i32, i32
  }
  func.func @transform_5(%arg0: i32) -> (i32, i32) {
    %c0_i32 = arith.constant 0 : i32
    %c0_i32_0 = arith.constant 0 : i32
    return %arg0, %c0_i32 : i32, i32
  }
  func.func @transform_6(%arg0: i32) -> (i32, i32) {
    %c0_i32 = arith.constant 0 : i32
    %c0_i32_0 = arith.constant 0 : i32
    %c0_i32_1 = arith.constant 0 : i32
    return %c0_i32, %c0_i32_0 : i32, i32
  }
  func.func @transform_7(%arg0: i32) -> (i32, i32) {
    %c0_i32 = arith.constant 0 : i32
    %c0_i32_0 = arith.constant 0 : i32
    %c0_i32_1 = arith.constant 0 : i32
    return %c0_i32, %c0_i32_0 : i32, i32
  }
  func.func @transform_8(%arg0: i32) -> (i32, i32) {
    %c0_i32 = arith.constant 0 : i32
    %c0_i32_0 = arith.constant 0 : i32
    %c0_i32_1 = arith.constant 0 : i32
    return %c0_i32, %c0_i32_0 : i32, i32
  }
}

</mosaic_0001>

<sc_bundles>
// kernel: kernel.11.cloned.1.call-start
scs
__scs_entry_jumppad:
0x0: {  	(pc) =	sbr.rel $0x88, $3  }
0x1: {  	(tag) =	ssettag $0x0;
	lr =	simm.s32 $0x1  }
0x2: {  	[smem:$0x3F98] =	sst lr;
	_ =	strace $0xD0000000  }
0x3: {  	_ = 	snop  }
0x4: {  	_ = 	snop  }
0x5: {  	_ = 	snop  }
0x6: {  	_ = 	snop  }
0x7: {  	_ = 	snop  }
__scs_overlays_trampoline_lowered:
0x8: {  	[smem:$0x3FA7] =	sst s0  }
0x9: {  	[smem:$0x3FA8] =	sst s1  }
0xa: {  	[smem:$0x3FA9] =	sst s2  }
0xb: {  	[smem:$0x3FAA] =	sst s3  }
0xc: {  	[smem:$0x3FAB] =	sst s4  }
0xd: {  	[smem:$0x3FAC] =	sst s5  }
0xe: {  	[smem:$0x3FAD] =	sst s6  }
0xf: {  	[smem:$0x3FAE] =	sst s7  }
0x10: {  	[smem:$0x3FAF] =	sst s8  }
0x11: {  	[smem:$0x3FB0] =	sst s9;
	s0 =	simm.s32 @!p0 $0x0  }
0x12: {  	s1 =	sld [smem:$0x3F96];
	s0 =	simm.s32 @p0 $0x1  }
0x13: {  	[smem:$0x3FB1] =	sst s0;
	s0 =	simm.s32 @!p1 $0x0  }
0x14: {  	s2 =	sld [smem:$0x3F95];
	s0 =	simm.s32 @p1 $0x1  }
0x15: {  	[smem:$0x3FB2] =	sst s0;
	s0 =	simm.s32 @!p2 $0x0  }
0x16: {  	s3 =	sld [smem:$0x3FDB];
	s0 =	simm.s32 @p2 $0x1  }
0x17: {  	s4 =	simm.s32 $0x1BF5;
	[smem:$0x3FB4] =	sst s0  }
0x18: {  	s0 =	sld [smem:$0x3F97];
	_ =	swait.ge [sflag:s4], $0x0  }
0x19: {  	s7 =	sld [smem:$0x3F98]  }
0x1a: {  	s8 =	sadd.s32 $0xFFFFE003, lr  }
0x1b: {  	s9 =	sadd.s32 $0xFFFFFEF7, lr;
	s5 =	simm.s32 $0xFFFFFFFF;
	p2 =	slt.u32 s8, $0xFFFFF086  }
0x1c: {  	p1 =	slt.u32 s9, $0xF7A;
	s5 =	simm.s32 @!p2 $0x0  }
0x1d: {  	s5 =	simm.s32 @p1 $0x1;
	p0 =	seq.s32 s7, s2  }
0x1e: {  	s7 =	smul.u32 @!p0 $0xF7A, s2;
	p2 =	seq.s32 @!p0 s5, $0x0  }
0x1f: {  	s9 =	smul.u32 $0xF7A, s1;
	s8 =	simm.s32 @!p0 $0x1BF5;
	p2 =	por !p2, p0  }
0x20: {  	[sflag:s8] =	ssyncset.s32 @!p0 $0xFFFFF086;
	s6 =	sadd.s32 @!p0 s3, s7;
	s7 =	simm.s32 @!p0 $0x108  }
0x21: {  	s3 =	sadd.s32 s3, s9;
	s6 =	sadd.s32 @!p0 $0x88, s6;
	s7 =	simm.s32 @p2 $0x1082  }
0x22: {  	[simem:s7], [sflag:s8] =	dma.local @!p0 [hbm:s6], $0xF7A  }
0x23: {  	s9 =	sor.u32 $0xD0000000, s2;
	s6 =	simm.s32 $0x108;
	_ =	swait.ge @!p0 [sflag:s8], $0x0  }
0x24: {  	s3 =	sadd.s32 $0x88, s3;
	s6 =	simm.s32 @!p1 $0x1082;
	[sflag:s4] =	ssyncset.s32 $0xFFFFF086  }
0x25: {  	[simem:s6], [sflag:s4] =	dma.local [hbm:s3], $0xF7A  }
0x26: {  	[smem:$0x3F98] =	sst s1;
	(tag) =	ssettag s2;
	_ =	strace s9  }
0x27: {  	s1 =	sld [smem:$0x3FA8]  }
0x28: {  	s2 =	sld [smem:$0x3FA9]  }
0x29: {  	s4 =	sld [smem:$0x3FAB]  }
0x2a: {  	p0 =	seq.s32 s5, $0x0;
	s5 =	sld [smem:$0x3FAC]  }
0x2b: {  	s6 =	sld [smem:$0x3FAD]  }
0x2c: {  	s7 =	sld [smem:$0x3FAE]  }
0x2d: {  	s3 =	simm.s32 $0x108;
	s8 =	sld [smem:$0x3FAF]  }
0x2e: {  	s3 =	simm.s32 @!p0 $0x1082;
	s9 =	sld [smem:$0x3FB0]  }
0x2f: {  	lr =	sadd.s32 s0, s3;
	s0 =	sld [smem:$0x3FA7]  }
0x30: {  	s3 =	sld [smem:$0x3FAA]  }
0x31: {  	[smem:$0x3FB3] =	sst s10  }
0x32: {  	s10 =	sld [smem:$0x3FB1];
	_ =	sdelay $0x3  }
0x33: {  	p0 =	seq.s32 s10, $0x1;
	s10 =	sld [smem:$0x3FB3];
	_ =	sdelay $0x3  }
0x34: {  	[smem:$0x3FB3] =	sst s10  }
0x35: {  	s10 =	sld [smem:$0x3FB2];
	_ =	sdelay $0x3  }
0x36: {  	p1 =	seq.s32 s10, $0x1;
	s10 =	sld [smem:$0x3FB3];
	_ =	sdelay $0x3  }
0x37: {  	[smem:$0x3FB3] =	sst s10  }
0x38: {  	s10 =	sld [smem:$0x3FB4]  }
0x39: {  	_ = 	snop;
	(pc) =	sbr.ind lr, $3  }
0x3a: {  	_ = 	snop  }
0x3b: {  	_ = 	snop  }
0x3c: {  	p2 =	seq.s32 s10, $0x1;
	s10 =	sld [smem:$0x3FB3]  }
0x3d: {  	_ =	shalt  }
0x3e: {  	_ =	shalt  }
0x3f: {  	_ =	shalt  }
0x40: {  	_ =	shalt  }
0x41: {  	_ =	shalt  }
0x42: {  	_ =	shalt  }
0x43: {  	_ =	shalt  }
0x44: {  	_ =	shalt  }
0x45: {  	_ =	shalt  }
0x46: {  	_ =	shalt  }
0x47: {  	_ =	shalt  }
0x48: {  	_ =	shalt  }
0x49: {  	_ =	shalt  }
0x4a: {  	_ =	shalt  }
0x4b: {  	_ =	shalt  }
0x4c: {  	_ =	shalt  }
0x4d: {  	_ =	shalt  }
0x4e: {  	_ =	shalt  }
0x4f: {  	_ =	shalt  }
0x50: {  	_ =	shalt  }
0x51: {  	_ =	shalt  }
0x52: {  	_ =	shalt  }
0x53: {  	_ =	shalt  }
0x54: {  	_ =	shalt  }
0x55: {  	_ =	shalt  }
0x56: {  	_ =	shalt  }
0x57: {  	_ =	shalt  }
0x58: {  	_ =	shalt  }
0x59: {  	_ =	shalt  }
0x5a: {  	_ =	shalt  }
0x5b: {  	_ =	shalt  }
0x5c: {  	_ =	shalt  }
0x5d: {  	_ =	shalt  }
0x5e: {  	_ =	shalt  }
0x5f: {  	_ =	shalt  }
0x60: {  	_ =	shalt  }
0x61: {  	_ =	shalt  }
0x62: {  	_ =	shalt  }
0x63: {  	_ =	shalt  }
0x64: {  	_ =	shalt  }
0x65: {  	_ =	shalt  }
0x66: {  	_ =	shalt  }
0x67: {  	_ =	shalt  }
0x68: {  	_ =	shalt  }
0x69: {  	_ =	shalt  }
0x6a: {  	_ =	shalt  }
0x6b: {  	_ =	shalt  }
0x6c: {  	_ =	shalt  }
0x6d: {  	_ =	shalt  }
0x6e: {  	_ =	shalt  }
0x6f: {  	_ =	shalt  }
0x70: {  	_ =	shalt  }
0x71: {  	_ =	shalt  }
0x72: {  	_ =	shalt  }
0x73: {  	_ =	shalt  }
0x74: {  	_ =	shalt  }
0x75: {  	_ =	shalt  }
0x76: {  	_ =	shalt  }
0x77: {  	_ =	shalt  }
0x78: {  	_ =	shalt  }
0x79: {  	_ =	shalt  }
0x7a: {  	_ =	shalt  }
0x7b: {  	_ =	shalt  }
0x7c: {  	_ =	shalt  }
0x7d: {  	_ =	shalt  }
0x7e: {  	_ =	shalt  }
0x7f: {  	_ =	shalt  }
0x80: {  	_ =	shalt  }
0x81: {  	_ =	shalt  }
0x82: {  	_ =	shalt  }
0x83: {  	_ =	shalt  }
0x84: {  	_ =	shalt  }
0x85: {  	_ =	shalt  }
0x86: {  	_ =	shalt  }
0x87: {  	_ =	shalt  }
.Lfunc_end0:
.L_simem_size_0:
called_computation.1_lowered:
.L_overlay_start_0:
0x88: {  	s2 =	sld [smem:$0x3FD9]  }
0x89: {  	s3 =	sld [smem:$0x3FFE];
	_ =	sdelay $0x1  }
0x8a: {  	s1 =	srdreg.scid  }
0x8b: {  	s0 =	sand.u32 $0x1, s1  }
0x8c: {  	s16 =	sshll.u32 s0, $0xA;
	s2 =	sadd.s32 s3, s2  }
0x8d: {  	s2 =	sadd.s32 s2, s16  }
0x8e: {  	[smem:$0x3FBF] =	sst s2  }
0x8f: {  	_ = 	snop  }
0x90: {  	(tm) =	ssettm $0x1  }
0x91: {  	s17 =	sld [smem:$0x3FFB];
	_ =	sdelay $0x3  }
0x92: {  	_ =	strace s17  }
0x93: {  	s2 =	sld [smem:$0x3FFC];
	_ =	sdelay $0x3  }
0x94: {  	_ =	strace s2  }
0x95: {  	s2 =	sld [smem:$0x3FFD];
	_ =	sdelay $0x3  }
0x96: {  	_ =	strace s2  }
0x97: {  	_ =	strace $0x8FFFFFFF  }
0x98: {  	s18 =	sld [smem:$0x3FDB];
	_ =	sdelay $0x1  }
0x99: {  	s19 =	simm.s32 $_scs_section_size  }
0x9a: {  	s4 =	simm.s32 $_size__tile_overlayer_lowered;
	s5 =	simm.s32 $_tile_overlayer_lowered  }
0x9b: {  	s22 =	simm.s32 $0x1BFF;
	s21 =	sshll.u32 s5, $0x1;
	s2 =	sadd.s32 s19, s18  }
0x9c: {  	s6 =	simm.s32 $0x0;
	s20 =	sshll.u32 s4, $0x1;
	s4 =	sadd.s32 s21, s2  }
0x9d: {  	[timem:s6], [sflag:s22] =	dma.local [hbm:s4], s20  }
0x9e: {  	_ =	swait.ge [sflag:s22], s20  }
0x9f: {  	s3 =	ssub.s32 $0x0, s20;
	[sflag:s22] =	ssyncset.done $0x0  }
0xa0: {  	[sflag:s22] =	ssyncadd.s32 s3;
	_ =	sdelay $0x1  }
0xa1: {  	s23 =	simm.s32 $0x1B8B  }
0xa2: {  	_ =	swait.ge [sflag:s23], $0x1  }
0xa3: {  	[sflag:s23] =	ssyncset.done $0x0  }
0xa4: {  	s25 =	simm.s32 $0x1B8E;
	s24 =	sld [smem:$0x3FFE];
	[sflag:s23] =	ssyncadd.s32 $0xFFFFFFFF  }
0xa5: {  	s26 =	simm.s32 $execute0_lowered;
	[smem:$0x3FD2] =	sst s25  }
0xa6: {  	s4 =	sshll.u32 s26, $0x1;
	_ =	strace $0x80000049;
	[dreg:$0x1] =	wrdreg $0xFFFFFFFF  }
0xa7: {  	s28 =	simm.s32 $_size_execute0_lowered;
	s2 =	sadd.s32 s2, s4;
	[dreg:$0x0] =	wrdreg $0x0  }
0xa8: {  	s4 =	sshll.u32 s28, $0x1;
	[dreg:$0x2] =	wrdreg s2  }
0xa9: {  	[dreg:$0x3] =	wrdreg s4  }
0xaa: {  	[dreg:$0x4] =	wrdreg $0xC0  }
0xab: {  	_ =	task [dreg:s6], $0x5FFFF  }
0xac: {  	[dreg:$0x1] =	wrdreg $0xFFFFFFFF  }
0xad: {  	[dreg:$0x0] =	wrdreg $0x60  }
0xae: {  	[dreg:$0x2] =	wrdreg s24  }
0xaf: {  	[dreg:$0x3] =	wrdreg $0x41000  }
0xb0: {  	[dreg:$0x4] =	wrdreg $0x9  }
0xb1: {  	_ =	task.clear_ibuf [dreg:s6], $0x5FFFF;
	_ =	strace $0x90000049  }
0xb2: {  	s29 =	simm.s32 $0x9;
	_ =	strace $0x8000004B  }
0xb3: {  	_ =	swait.ge [sflag:s29], $0x1  }
0xb4: {  	[sflag:s29] =	ssyncadd.s32 $0xFFFFFFFF  }
0xb5: {  	_ =	strace $0x9000004B  }
0xb6: {  	_ =	sfence  }
0xb7: {  	s30 =	sld [smem:$0x0];
	_ =	sdelay $0x2  }
0xb8: {  	s31 =	sshll.u32 s1, $0xD;
	s1 =	sshrl.u32 s1, $0x2  }
0xb9: {  	s3 =	sand.u32 $0x4000, s31;
	s1 =	sadd.s32 s1, s30  }
0xba: {  	s0 =	sor.u32 s3, s0;
	s1 =	sshll.u32 s1, $0x11  }
0xbb: {  	s0 =	sor.u32 s1, s0  }
0xbc: {  	s0 =	sadd.s32 $0x8F2B, s0  }
0xbd: {  	[sflag:s0] =	ssyncadd.remote.s32 $0x1  }
0xbe: {  	_ =	sfence.sel $0xFFFF  }
0xbf: {  	[dreg:$0x0] =	wrdreg $0xFFFFFFFF;
	(pc) =	sbr.abs _section_cstart, $3  }
0xc0: {  	[dreg:$0x1] =	wrdreg $0xFFFFFFFF  }
0xc1: {  	_ =	task.clear_ibuf [dreg:s6], $0x2FFFF;
	_ =	strace $0x9FFFFFFF  }
0xc2: {  	(tm) =	ssettm $0x7FFFFFFF  }
0xc3: {  	_ =	shalt  }
tec
execute0_lowered:
.L_overlay_start_1:
0x0: {  	(tag) =	ssettag $0x1  }
0x1: {  	s5 =	rddreg [dreg:$0x0]  }
0x2: {  	s1 =	rddreg [dreg:$0x1]  }
0x3: {  	s0 =	rddreg [dreg:$0x2];
	s2 =	simm.s32 $0x0;
	s3 =	srdreg.scid  }
0x4: {  	s13 =	simm.s32 $0xA2200;
	s14 =	simm.s32 $0x100;
	s7 =	sand.u32 $0x1, s3  }
0x5: {  	s15 =	simm.s32 $0x1;
	s3 =	stileid.u32;
	s6 =	smul.u32 $0x5000, s7  }
0x6: {  	s16 =	simm.s32 $0x0;
	[smem:$0x7FF] =	sst s2;
	s8 =	smul.u32 $0x4F000, s3  }
0x7: {  	s4 =	sadd.s32 $0x53800, s5;
	_ =	strace $0x8000004A;
	s9 =	smul.u32 $0x2780, s3  }
0x8: {  	s10 =	ssub.s32 $0x2, s7;
	s29 =	sshll.u32 s3, $0x6;
	p0 =	seq.s32 s7, $0x1  }
0x9: {  	s30 =	smul.u32 $0x500, s3;
	s28 =	sshrl.u32 s10, $0x1;
	s13 =	simm.s32 @!p0 $0x7AA00  }
0xa: {  	s11 =	sadd.s32 s6, s5;
	s8 =	sshrl.u32 s8, $0x2;
	s9 =	sadd.s32 s9, s5  }
0xb: {  	s10 =	ssub.s32 s10, s28;
	s6 =	sor.u32 $0x1C02, s29;
	s12 =	sadd.s32 s8, s1  }
0xc: {  	s5 =	sadd.s32 $0x2C000, s9;
	s7 =	smax.u32 s10, $0x1;
	s31 =	sadd.s32 s30, s11  }
0xd: {  	s8 =	sadd.s32 s13, s9;
	s13 =	simm.s32 $0x80;
	s9 =	sadd.s32 $0xE000, s31  }
0xe: {  	s10 =	sadd.s32 $0x4000, s31;
	s11 =	sshrl.u32 s12, $0x3;
	s12 =	simm.s32 $0x2  }
.LBB2_1:
0xf: {  	[spmem:s11], [sflag:s6] =	dma.local [hbm:s5], $0x2780  }
0x10: {  	_ =	swait.ge [sflag:s12], $0x2780  }
0x11: {  	[sflag:s12] =	ssyncset.done $0x0  }
0x12: {  	[sflag:s12] =	ssyncadd.s32 $0xFFFFD880  }
0x13: {  	s17 =	sadd.s32 $0x0, s10;
	[bflag:$0x0] =	sbarrier.arrive $0xFFFF  }
0x14: {  	[tilespmem:s2], [sflag:$0x2] =	stream.linear.gather [hbm4b:s17+s2], $0x80, $0x38;
	[tilespmem:$0x17D00] =	vst v63  }
0x15: {  	_ =	swait.ge [sflag:s12], $0x80  }
0x16: {  	[sflag:s12] =	ssyncset.done $0x0  }
0x17: {  	s31 =	sadd.s32 $0x0, s9;
	[sflag:s12] =	ssyncadd.s32 $0xFFFFFF80  }
0x18: {  	[tilespmem:s13], [sflag:$0x2] =	stream.linear.gather [hbm4b:s31+s2], $0x80, $0x38;
	[tilespmem:$0x17D00] =	vst v63  }
0x19: {  	_ =	swait.ge [sflag:s12], $0x80  }
0x1a: {  	[sflag:s12] =	ssyncset.done $0x0  }
0x1b: {  	[sflag:s12] =	ssyncadd.s32 $0xFFFFFF80  }
0x1c: {  	[tilespmem:s14], [sflag:$0x1] =	stream.indirect.gather [hbm4b:s4+s13], $0x80, s2, s13, $0xb8;
	[tilespmem:$0x17D00] =	vst v63  }
0x1d: {  	_ =	swait.ge [sflag:s15], $0x4000  }
0x1e: {  	[sflag:s15] =	ssyncset.done $0x0  }
0x1f: {  	[sflag:s15] =	ssyncadd.s32 $0xFFFFC000  }
0x20: {  	[spmem:s1] =	stream.indirect.scatter.add.f32 [tilespmem:s14], [sflag:$0x2], $0x80, s13, s13, $0xb8;
	[tilespmem:$0x17D00] =	vst v63  }
0x21: {  	_ =	swait.ge [sflag:s12], $0x4000  }
0x22: {  	s18 =	simm.s32 $0x20;
	s17 =	simm.s32 $0x10;
	[sflag:s12] =	ssyncset.done $0x0  }
.LBB2_2:
0x23: {  	s19 =	sadd.s32 s17, s10  }
0x24: {  	[sflag:s12] =	ssyncadd.s32 $0xFFFFC000;
	s20 =	smov.u32 s18;
	s21 =	sadd.s32 $0x10, s18  }
0x25: {  	[tilespmem:s2], [sflag:$0x2] =	stream.linear.gather [hbm4b:s19+s2], $0x80, $0x38;
	[tilespmem:$0x17D00] =	vst v63  }
0x26: {  	p0 =	sne.s32 s18, $0x4F0;
	_ =	swait.ge [sflag:s12], $0x80  }
0x27: {  	[sflag:s12] =	ssyncset.done $0x0  }
0x28: {  	s18 =	sadd.s32 s17, s9;
	s17 =	smov.u32 s20;
	[sflag:s12] =	ssyncadd.s32 $0xFFFFFF80  }
0x29: {  	[tilespmem:s13], [sflag:$0x2] =	stream.linear.gather [hbm4b:s18+s2], $0x80, $0x38;
	[tilespmem:$0x17D00] =	vst v63  }
0x2a: {  	_ =	swait.ge [sflag:s12], $0x80  }
0x2b: {  	[sflag:s12] =	ssyncset.done $0x0  }
0x2c: {  	[sflag:s12] =	ssyncadd.s32 $0xFFFFFF80  }
0x2d: {  	[tilespmem:s14], [sflag:$0x1] =	stream.indirect.gather [hbm4b:s4+s13], $0x80, s2, s13, $0xb8;
	[tilespmem:$0x17D00] =	vst v63  }
0x2e: {  	_ =	swait.ge [sflag:s15], $0x4000  }
.Ltmp0:
0x2f: {  	[sflag:s15] =	ssyncset.done $0x0;
	(pc) =	sbr.rel @p0 .LBB2_2-.Ltmp0, $4  }
0x30: {  	[sflag:s15] =	ssyncadd.s32 $0xFFFFC000  }
0x31: {  	[spmem:s1] =	stream.indirect.scatter.add.f32 [tilespmem:s14], [sflag:$0x2], $0x80, s13, s13, $0xb8;
	[tilespmem:$0x17D00] =	vst v63  }
0x32: {  	_ =	swait.ge [sflag:s12], $0x4000  }
0x33: {  	s18 =	smov.u32 s21;
	[sflag:s12] =	ssyncset.done $0x0  }
0x34: {  	s18 =	sadd.s32 s17, s10;
	[sflag:s12] =	ssyncadd.s32 $0xFFFFC000  }
0x35: {  	[tilespmem:s2], [sflag:$0x2] =	stream.linear.gather [hbm4b:s18+s2], $0x80, $0x38;
	[tilespmem:$0x17D00] =	vst v63  }
0x36: {  	_ =	swait.ge [sflag:s12], $0x80  }
0x37: {  	[sflag:s12] =	ssyncset.done $0x0  }
0x38: {  	s31 =	sadd.s32 s17, s9;
	[sflag:s12] =	ssyncadd.s32 $0xFFFFFF80  }
0x39: {  	[tilespmem:s13], [sflag:$0x2] =	stream.linear.gather [hbm4b:s31+s2], $0x80, $0x38;
	[tilespmem:$0x17D00] =	vst v63  }
0x3a: {  	_ =	swait.ge [sflag:s12], $0x80  }
0x3b: {  	[sflag:s12] =	ssyncset.done $0x0  }
0x3c: {  	[sflag:s12] =	ssyncadd.s32 $0xFFFFFF80  }
0x3d: {  	[tilespmem:s14], [sflag:$0x1] =	stream.indirect.gather [hbm4b:s4+s13], $0x80, s2, s13, $0xb8;
	[tilespmem:$0x17D00] =	vst v63  }
0x3e: {  	_ =	swait.ge [sflag:s15], $0x4000  }
0x3f: {  	[sflag:s15] =	ssyncset.done $0x0  }
0x40: {  	[sflag:s15] =	ssyncadd.s32 $0xFFFFC000  }
0x41: {  	[spmem:s1] =	stream.indirect.scatter.add.f32 [tilespmem:s14], [sflag:$0x2], $0x80, s13, s13, $0xb8;
	[tilespmem:$0x17D00] =	vst v63  }
0x42: {  	_ =	swait.ge [sflag:s12], $0x4000  }
0x43: {  	s16 =	sadd.s32 $0x1, s16;
	[sflag:s12] =	ssyncset.done $0x0  }
0x44: {  	p0 =	sne.s32 s16, s7;
	[sflag:s12] =	ssyncadd.s32 $0xFFFFC000  }
.Ltmp1:
0x45: {  	[bflag:$0x0] =	sbarrier.arrive $0xFFFF;
	(pc) =	sbr.rel @p0 .LBB2_1-.Ltmp1, $4  }
0x46: {  	[hbm:s8], [sflag:s6] =	dma.local [spmem:s11], $0x2780  }
0x47: {  	_ =	swait.ge [sflag:s12], $0x2780  }
0x48: {  	[sflag:s12] =	ssyncset.done $0x0  }
0x49: {  	[sflag:s12] =	ssyncadd.s32 $0xFFFFD880  }
0x4a: {  	_ =	sfence.sel $0x180000  }
0x4b: {  	[bflag:$0x0] =	sbarrier.arrive $0xFFFF  }
0x4c: {  	p0 =	sne.s32 s3, $0x0;
	_ =	strace $0x9000004A  }
0x4d: {  	s0 =	sadd.s32 @!p0 $0x100000, s0;
	[bflag:$0x2] =	sbarrier.arrive $0xFFFF  }
0x4e: {  	[sflag:s0] =	ssyncadd.tile.s32 @!p0 $0x1;
	_ =	shalt  }
.Lfunc_end2:
_tile_overlayer_lowered:
.L_overlay_start_2:
0x4f: {  	(tag) =	ssettag $0x2  }
0x50: {  	s0 =	rddreg [dreg:$0x0];
	s2 =	stileid.u32  }
0x51: {  	s1 =	rddreg [dreg:$0x1];
	p0 =	sne.s32 s2, $0x0  }
0x52: {  	s3 =	rddreg [dreg:$0x2];
	[bflag:$0x3] =	sbarrier.arrive $0xFFFF;
	s2 =	simm.s32 @!p0 $0x1C02  }
0x53: {  	[timem:s3], [sflag:s2] =	dma.local @!p0 [hbm:s0], s1  }
0x54: {  	s0 =	simm.s32 @!p0 $0x2  }
0x55: {  	_ =	swait.ge @!p0 [sflag:s0], s1  }
0x56: {  	s1 =	ssub.s32 @!p0 $0x0, s1;
	[sflag:s0] =	ssyncset.done @!p0 $0x0  }
0x57: {  	[sflag:s0] =	ssyncadd.s32 @!p0 s1  }
0x58: {  	[bflag:$0x3] =	sbarrier.arrive $0xFFFF  }
0x59: {  	_ =	shalt  }

// kernel: kernel.14.cloned.1.call-start
scs
__scs_entry_jumppad:
0x0: {  	(pc) =	sbr.rel $0x88, $3  }
0x1: {  	(tag) =	ssettag $0x0;
	lr =	simm.s32 $0x1  }
0x2: {  	[smem:$0x3F98] =	sst lr;
	_ =	strace $0xD0000000  }
0x3: {  	_ = 	snop  }
0x4: {  	_ = 	snop  }
0x5: {  	_ = 	snop  }
0x6: {  	_ = 	snop  }
0x7: {  	_ = 	snop  }
__scs_overlays_trampoline_lowered:
0x8: {  	[smem:$0x3FA7] =	sst s0  }
0x9: {  	[smem:$0x3FA8] =	sst s1  }
0xa: {  	[smem:$0x3FA9] =	sst s2  }
0xb: {  	[smem:$0x3FAA] =	sst s3  }
0xc: {  	[smem:$0x3FAB] =	sst s4  }
0xd: {  	[smem:$0x3FAC] =	sst s5  }
0xe: {  	[smem:$0x3FAD] =	sst s6  }
0xf: {  	[smem:$0x3FAE] =	sst s7  }
0x10: {  	[smem:$0x3FAF] =	sst s8  }
0x11: {  	[smem:$0x3FB0] =	sst s9;
	s0 =	simm.s32 @!p0 $0x0  }
0x12: {  	s1 =	sld [smem:$0x3F96];
	s0 =	simm.s32 @p0 $0x1  }
0x13: {  	[smem:$0x3FB1] =	sst s0;
	s0 =	simm.s32 @!p1 $0x0  }
0x14: {  	s2 =	sld [smem:$0x3F95];
	s0 =	simm.s32 @p1 $0x1  }
0x15: {  	[smem:$0x3FB2] =	sst s0;
	s0 =	simm.s32 @!p2 $0x0  }
0x16: {  	s3 =	sld [smem:$0x3FDB];
	s0 =	simm.s32 @p2 $0x1  }
0x17: {  	s4 =	simm.s32 $0x1BF5;
	[smem:$0x3FB4] =	sst s0  }
0x18: {  	s0 =	sld [smem:$0x3F97];
	_ =	swait.ge [sflag:s4], $0x0  }
0x19: {  	s7 =	sld [smem:$0x3F98]  }
0x1a: {  	s8 =	sadd.s32 $0xFFFFE003, lr  }
0x1b: {  	s9 =	sadd.s32 $0xFFFFFEF7, lr;
	s5 =	simm.s32 $0xFFFFFFFF;
	p2 =	slt.u32 s8, $0xFFFFF086  }
0x1c: {  	p1 =	slt.u32 s9, $0xF7A;
	s5 =	simm.s32 @!p2 $0x0  }
0x1d: {  	s5 =	simm.s32 @p1 $0x1;
	p0 =	seq.s32 s7, s2  }
0x1e: {  	s7 =	smul.u32 @!p0 $0xF7A, s2;
	p2 =	seq.s32 @!p0 s5, $0x0  }
0x1f: {  	s9 =	smul.u32 $0xF7A, s1;
	s8 =	simm.s32 @!p0 $0x1BF5;
	p2 =	por !p2, p0  }
0x20: {  	[sflag:s8] =	ssyncset.s32 @!p0 $0xFFFFF086;
	s6 =	sadd.s32 @!p0 s3, s7;
	s7 =	simm.s32 @!p0 $0x108  }
0x21: {  	s3 =	sadd.s32 s3, s9;
	s6 =	sadd.s32 @!p0 $0x88, s6;
	s7 =	simm.s32 @p2 $0x1082  }
0x22: {  	[simem:s7], [sflag:s8] =	dma.local @!p0 [hbm:s6], $0xF7A  }
0x23: {  	s9 =	sor.u32 $0xD0000000, s2;
	s6 =	simm.s32 $0x108;
	_ =	swait.ge @!p0 [sflag:s8], $0x0  }
0x24: {  	s3 =	sadd.s32 $0x88, s3;
	s6 =	simm.s32 @!p1 $0x1082;
	[sflag:s4] =	ssyncset.s32 $0xFFFFF086  }
0x25: {  	[simem:s6], [sflag:s4] =	dma.local [hbm:s3], $0xF7A  }
0x26: {  	[smem:$0x3F98] =	sst s1;
	(tag) =	ssettag s2;
	_ =	strace s9  }
0x27: {  	s1 =	sld [smem:$0x3FA8]  }
0x28: {  	s2 =	sld [smem:$0x3FA9]  }
0x29: {  	s4 =	sld [smem:$0x3FAB]  }
0x2a: {  	p0 =	seq.s32 s5, $0x0;
	s5 =	sld [smem:$0x3FAC]  }
0x2b: {  	s6 =	sld [smem:$0x3FAD]  }
0x2c: {  	s7 =	sld [smem:$0x3FAE]  }
0x2d: {  	s3 =	simm.s32 $0x108;
	s8 =	sld [smem:$0x3FAF]  }
0x2e: {  	s3 =	simm.s32 @!p0 $0x1082;
	s9 =	sld [smem:$0x3FB0]  }
0x2f: {  	lr =	sadd.s32 s0, s3;
	s0 =	sld [smem:$0x3FA7]  }
0x30: {  	s3 =	sld [smem:$0x3FAA]  }
0x31: {  	[smem:$0x3FB3] =	sst s10  }
0x32: {  	s10 =	sld [smem:$0x3FB1];
	_ =	sdelay $0x3  }
0x33: {  	p0 =	seq.s32 s10, $0x1;
	s10 =	sld [smem:$0x3FB3];
	_ =	sdelay $0x3  }
0x34: {  	[smem:$0x3FB3] =	sst s10  }
0x35: {  	s10 =	sld [smem:$0x3FB2];
	_ =	sdelay $0x3  }
0x36: {  	p1 =	seq.s32 s10, $0x1;
	s10 =	sld [smem:$0x3FB3];
	_ =	sdelay $0x3  }
0x37: {  	[smem:$0x3FB3] =	sst s10  }
0x38: {  	s10 =	sld [smem:$0x3FB4]  }
0x39: {  	_ = 	snop;
	(pc) =	sbr.ind lr, $3  }
0x3a: {  	_ = 	snop  }
0x3b: {  	_ = 	snop  }
0x3c: {  	p2 =	seq.s32 s10, $0x1;
	s10 =	sld [smem:$0x3FB3]  }
0x3d: {  	_ =	shalt  }
0x3e: {  	_ =	shalt  }
0x3f: {  	_ =	shalt  }
0x40: {  	_ =	shalt  }
0x41: {  	_ =	shalt  }
0x42: {  	_ =	shalt  }
0x43: {  	_ =	shalt  }
0x44: {  	_ =	shalt  }
0x45: {  	_ =	shalt  }
0x46: {  	_ =	shalt  }
0x47: {  	_ =	shalt  }
0x48: {  	_ =	shalt  }
0x49: {  	_ =	shalt  }
0x4a: {  	_ =	shalt  }
0x4b: {  	_ =	shalt  }
0x4c: {  	_ =	shalt  }
0x4d: {  	_ =	shalt  }
0x4e: {  	_ =	shalt  }
0x4f: {  	_ =	shalt  }
0x50: {  	_ =	shalt  }
0x51: {  	_ =	shalt  }
0x52: {  	_ =	shalt  }
0x53: {  	_ =	shalt  }
0x54: {  	_ =	shalt  }
0x55: {  	_ =	shalt  }
0x56: {  	_ =	shalt  }
0x57: {  	_ =	shalt  }
0x58: {  	_ =	shalt  }
0x59: {  	_ =	shalt  }
0x5a: {  	_ =	shalt  }
0x5b: {  	_ =	shalt  }
0x5c: {  	_ =	shalt  }
0x5d: {  	_ =	shalt  }
0x5e: {  	_ =	shalt  }
0x5f: {  	_ =	shalt  }
0x60: {  	_ =	shalt  }
0x61: {  	_ =	shalt  }
0x62: {  	_ =	shalt  }
0x63: {  	_ =	shalt  }
0x64: {  	_ =	shalt  }
0x65: {  	_ =	shalt  }
0x66: {  	_ =	shalt  }
0x67: {  	_ =	shalt  }
0x68: {  	_ =	shalt  }
0x69: {  	_ =	shalt  }
0x6a: {  	_ =	shalt  }
0x6b: {  	_ =	shalt  }
0x6c: {  	_ =	shalt  }
0x6d: {  	_ =	shalt  }
0x6e: {  	_ =	shalt  }
0x6f: {  	_ =	shalt  }
0x70: {  	_ =	shalt  }
0x71: {  	_ =	shalt  }
0x72: {  	_ =	shalt  }
0x73: {  	_ =	shalt  }
0x74: {  	_ =	shalt  }
0x75: {  	_ =	shalt  }
0x76: {  	_ =	shalt  }
0x77: {  	_ =	shalt  }
0x78: {  	_ =	shalt  }
0x79: {  	_ =	shalt  }
0x7a: {  	_ =	shalt  }
0x7b: {  	_ =	shalt  }
0x7c: {  	_ =	shalt  }
0x7d: {  	_ =	shalt  }
0x7e: {  	_ =	shalt  }
0x7f: {  	_ =	shalt  }
0x80: {  	_ =	shalt  }
0x81: {  	_ =	shalt  }
0x82: {  	_ =	shalt  }
0x83: {  	_ =	shalt  }
0x84: {  	_ =	shalt  }
0x85: {  	_ =	shalt  }
0x86: {  	_ =	shalt  }
0x87: {  	_ =	shalt  }
.Lfunc_end0:
.L_simem_size_0:
called_computation.2_lowered:
.L_overlay_start_0:
0x88: {  	s2 =	sld [smem:$0x3FD9]  }
0x89: {  	s3 =	sld [smem:$0x3FFE];
	_ =	sdelay $0x1  }
0x8a: {  	s1 =	srdreg.scid  }
0x8b: {  	s0 =	sand.u32 $0x1, s1  }
0x8c: {  	s16 =	sshll.u32 s0, $0xA;
	s2 =	sadd.s32 s3, s2  }
0x8d: {  	s2 =	sadd.s32 s2, s16  }
0x8e: {  	[smem:$0x3FBF] =	sst s2  }
0x8f: {  	_ = 	snop  }
0x90: {  	(tm) =	ssettm $0x1  }
0x91: {  	s17 =	sld [smem:$0x3FFB];
	_ =	sdelay $0x3  }
0x92: {  	_ =	strace s17  }
0x93: {  	s2 =	sld [smem:$0x3FFC];
	_ =	sdelay $0x3  }
0x94: {  	_ =	strace s2  }
0x95: {  	s2 =	sld [smem:$0x3FFD];
	_ =	sdelay $0x3  }
0x96: {  	_ =	strace s2  }
0x97: {  	_ =	strace $0x8FFFFFFF  }
0x98: {  	s18 =	sld [smem:$0x3FDB];
	_ =	sdelay $0x1  }
0x99: {  	s19 =	simm.s32 $_scs_section_size  }
0x9a: {  	s4 =	simm.s32 $_size__tile_overlayer_lowered;
	s5 =	simm.s32 $_tile_overlayer_lowered  }
0x9b: {  	s22 =	simm.s32 $0x1BFF;
	s21 =	sshll.u32 s5, $0x1;
	s2 =	sadd.s32 s19, s18  }
0x9c: {  	s6 =	simm.s32 $0x0;
	s20 =	sshll.u32 s4, $0x1;
	s4 =	sadd.s32 s21, s2  }
0x9d: {  	[timem:s6], [sflag:s22] =	dma.local [hbm:s4], s20  }
0x9e: {  	_ =	swait.ge [sflag:s22], s20  }
0x9f: {  	s3 =	ssub.s32 $0x0, s20;
	[sflag:s22] =	ssyncset.done $0x0  }
0xa0: {  	[sflag:s22] =	ssyncadd.s32 s3;
	_ =	sdelay $0x1  }
0xa1: {  	s23 =	simm.s32 $0x1B8B  }
0xa2: {  	_ =	swait.ge [sflag:s23], $0x1  }
0xa3: {  	[sflag:s23] =	ssyncset.done $0x0  }
0xa4: {  	s25 =	simm.s32 $0x1B8E;
	s24 =	sld [smem:$0x3FFE];
	[sflag:s23] =	ssyncadd.s32 $0xFFFFFFFF  }
0xa5: {  	s26 =	simm.s32 $execute0_lowered;
	[smem:$0x3FD2] =	sst s25  }
0xa6: {  	s4 =	sshll.u32 s26, $0x1;
	_ =	strace $0x8000004C;
	[dreg:$0x1] =	wrdreg $0xFFFFFFFF  }
0xa7: {  	s28 =	simm.s32 $_size_execute0_lowered;
	s2 =	sadd.s32 s2, s4;
	[dreg:$0x0] =	wrdreg $0x0  }
0xa8: {  	s4 =	sshll.u32 s28, $0x1;
	[dreg:$0x2] =	wrdreg s2  }
0xa9: {  	[dreg:$0x3] =	wrdreg s4  }
0xaa: {  	[dreg:$0x4] =	wrdreg $0xC0  }
0xab: {  	_ =	task [dreg:s6], $0x5FFFF  }
0xac: {  	[dreg:$0x1] =	wrdreg $0xFFFFFFFF  }
0xad: {  	[dreg:$0x0] =	wrdreg $0x60  }
0xae: {  	[dreg:$0x2] =	wrdreg s24  }
0xaf: {  	[dreg:$0x3] =	wrdreg $0x41000  }
0xb0: {  	[dreg:$0x4] =	wrdreg $0x9  }
0xb1: {  	_ =	task.clear_ibuf [dreg:s6], $0x5FFFF;
	_ =	strace $0x9000004C  }
0xb2: {  	s29 =	simm.s32 $0x9;
	_ =	strace $0x8000004E  }
0xb3: {  	_ =	swait.ge [sflag:s29], $0x1  }
0xb4: {  	[sflag:s29] =	ssyncadd.s32 $0xFFFFFFFF  }
0xb5: {  	_ =	strace $0x9000004E  }
0xb6: {  	_ =	sfence  }
0xb7: {  	s30 =	sld [smem:$0x0];
	_ =	sdelay $0x2  }
0xb8: {  	s31 =	sshll.u32 s1, $0xD;
	s1 =	sshrl.u32 s1, $0x2  }
0xb9: {  	s3 =	sand.u32 $0x4000, s31;
	s1 =	sadd.s32 s1, s30  }
0xba: {  	s0 =	sor.u32 s3, s0;
	s1 =	sshll.u32 s1, $0x11  }
0xbb: {  	s0 =	sor.u32 s1, s0  }
0xbc: {  	s0 =	sadd.s32 $0x8F2B, s0  }
0xbd: {  	[sflag:s0] =	ssyncadd.remote.s32 $0x1  }
0xbe: {  	_ =	sfence.sel $0xFFFF  }
0xbf: {  	[dreg:$0x0] =	wrdreg $0xFFFFFFFF;
	(pc) =	sbr.abs _section_cstart, $3  }
0xc0: {  	[dreg:$0x1] =	wrdreg $0xFFFFFFFF  }
0xc1: {  	_ =	task.clear_ibuf [dreg:s6], $0x2FFFF;
	_ =	strace $0x9FFFFFFF  }
0xc2: {  	(tm) =	ssettm $0x7FFFFFFF  }
0xc3: {  	_ =	shalt  }
tec
execute0_lowered:
.L_overlay_start_1:
0x0: {  	(tag) =	ssettag $0x1  }
0x1: {  	s5 =	rddreg [dreg:$0x0]  }
0x2: {  	s1 =	rddreg [dreg:$0x1]  }
0x3: {  	s0 =	rddreg [dreg:$0x2];
	s2 =	simm.s32 $0x0;
	s3 =	srdreg.scid  }
0x4: {  	s13 =	simm.s32 $0xA2200;
	s14 =	simm.s32 $0x100;
	s7 =	sand.u32 $0x1, s3  }
0x5: {  	s15 =	simm.s32 $0x1;
	s3 =	stileid.u32;
	s6 =	smul.u32 $0x5000, s7  }
0x6: {  	s16 =	simm.s32 $0x0;
	[smem:$0x7FF] =	sst s2;
	s8 =	smul.u32 $0x4F000, s3  }
0x7: {  	s4 =	sadd.s32 $0x53800, s5;
	_ =	strace $0x8000004D;
	s9 =	smul.u32 $0x2780, s3  }
0x8: {  	s10 =	ssub.s32 $0x2, s7;
	s29 =	sshll.u32 s3, $0x6;
	p0 =	seq.s32 s7, $0x1  }
0x9: {  	s30 =	smul.u32 $0x500, s3;
	s28 =	sshrl.u32 s10, $0x1;
	s13 =	simm.s32 @!p0 $0x7AA00  }
0xa: {  	s11 =	sadd.s32 s6, s5;
	s8 =	sshrl.u32 s8, $0x2;
	s9 =	sadd.s32 s9, s5  }
0xb: {  	s10 =	ssub.s32 s10, s28;
	s6 =	sor.u32 $0x1C02, s29;
	s12 =	sadd.s32 s8, s1  }
0xc: {  	s5 =	sadd.s32 $0x2C000, s9;
	s7 =	smax.u32 s10, $0x1;
	s31 =	sadd.s32 s30, s11  }
0xd: {  	s8 =	sadd.s32 s13, s9;
	s13 =	simm.s32 $0x80;
	s9 =	sadd.s32 $0xE000, s31  }
0xe: {  	s10 =	sadd.s32 $0x4000, s31;
	s11 =	sshrl.u32 s12, $0x3;
	s12 =	simm.s32 $0x2  }
.LBB2_1:
0xf: {  	[spmem:s11], [sflag:s6] =	dma.local [hbm:s5], $0x2780  }
0x10: {  	_ =	swait.ge [sflag:s12], $0x2780  }
0x11: {  	[sflag:s12] =	ssyncset.done $0x0  }
0x12: {  	[sflag:s12] =	ssyncadd.s32 $0xFFFFD880  }
0x13: {  	s17 =	sadd.s32 $0x0, s10;
	[bflag:$0x0] =	sbarrier.arrive $0xFFFF  }
0x14: {  	[tilespmem:s2], [sflag:$0x2] =	stream.linear.gather [hbm4b:s17+s2], $0x80, $0x38;
	[tilespmem:$0x17D00] =	vst v63  }
0x15: {  	_ =	swait.ge [sflag:s12], $0x80  }
0x16: {  	[sflag:s12] =	ssyncset.done $0x0  }
0x17: {  	s31 =	sadd.s32 $0x0, s9;
	[sflag:s12] =	ssyncadd.s32 $0xFFFFFF80  }
0x18: {  	[tilespmem:s13], [sflag:$0x2] =	stream.linear.gather [hbm4b:s31+s2], $0x80, $0x38;
	[tilespmem:$0x17D00] =	vst v63  }
0x19: {  	_ =	swait.ge [sflag:s12], $0x80  }
0x1a: {  	[sflag:s12] =	ssyncset.done $0x0  }
0x1b: {  	[sflag:s12] =	ssyncadd.s32 $0xFFFFFF80  }
0x1c: {  	[tilespmem:s14], [sflag:$0x1] =	stream.indirect.gather [hbm4b:s4+s13], $0x80, s2, s13, $0xb8;
	[tilespmem:$0x17D00] =	vst v63  }
0x1d: {  	_ =	swait.ge [sflag:s15], $0x4000  }
0x1e: {  	[sflag:s15] =	ssyncset.done $0x0  }
0x1f: {  	[sflag:s15] =	ssyncadd.s32 $0xFFFFC000  }
0x20: {  	[spmem:s1] =	stream.indirect.scatter.add.f32 [tilespmem:s14], [sflag:$0x2], $0x80, s13, s13, $0xb8;
	[tilespmem:$0x17D00] =	vst v63  }
0x21: {  	_ =	swait.ge [sflag:s12], $0x4000  }
0x22: {  	s18 =	simm.s32 $0x20;
	s17 =	simm.s32 $0x10;
	[sflag:s12] =	ssyncset.done $0x0  }
.LBB2_2:
0x23: {  	s19 =	sadd.s32 s17, s10  }
0x24: {  	[sflag:s12] =	ssyncadd.s32 $0xFFFFC000;
	s20 =	smov.u32 s18;
	s21 =	sadd.s32 $0x10, s18  }
0x25: {  	[tilespmem:s2], [sflag:$0x2] =	stream.linear.gather [hbm4b:s19+s2], $0x80, $0x38;
	[tilespmem:$0x17D00] =	vst v63  }
0x26: {  	p0 =	sne.s32 s18, $0x4F0;
	_ =	swait.ge [sflag:s12], $0x80  }
0x27: {  	[sflag:s12] =	ssyncset.done $0x0  }
0x28: {  	s18 =	sadd.s32 s17, s9;
	s17 =	smov.u32 s20;
	[sflag:s12] =	ssyncadd.s32 $0xFFFFFF80  }
0x29: {  	[tilespmem:s13], [sflag:$0x2] =	stream.linear.gather [hbm4b:s18+s2], $0x80, $0x38;
	[tilespmem:$0x17D00] =	vst v63  }
0x2a: {  	_ =	swait.ge [sflag:s12], $0x80  }
0x2b: {  	[sflag:s12] =	ssyncset.done $0x0  }
0x2c: {  	[sflag:s12] =	ssyncadd.s32 $0xFFFFFF80  }
0x2d: {  	[tilespmem:s14], [sflag:$0x1] =	stream.indirect.gather [hbm4b:s4+s13], $0x80, s2, s13, $0xb8;
	[tilespmem:$0x17D00] =	vst v63  }
0x2e: {  	_ =	swait.ge [sflag:s15], $0x4000  }
.Ltmp0:
0x2f: {  	[sflag:s15] =	ssyncset.done $0x0;
	(pc) =	sbr.rel @p0 .LBB2_2-.Ltmp0, $4  }
0x30: {  	[sflag:s15] =	ssyncadd.s32 $0xFFFFC000  }
0x31: {  	[spmem:s1] =	stream.indirect.scatter.add.f32 [tilespmem:s14], [sflag:$0x2], $0x80, s13, s13, $0xb8;
	[tilespmem:$0x17D00] =	vst v63  }
0x32: {  	_ =	swait.ge [sflag:s12], $0x4000  }
0x33: {  	s18 =	smov.u32 s21;
	[sflag:s12] =	ssyncset.done $0x0  }
0x34: {  	s18 =	sadd.s32 s17, s10;
	[sflag:s12] =	ssyncadd.s32 $0xFFFFC000  }
0x35: {  	[tilespmem:s2], [sflag:$0x2] =	stream.linear.gather [hbm4b:s18+s2], $0x80, $0x38;
	[tilespmem:$0x17D00] =	vst v63  }
0x36: {  	_ =	swait.ge [sflag:s12], $0x80  }
0x37: {  	[sflag:s12] =	ssyncset.done $0x0  }
0x38: {  	s31 =	sadd.s32 s17, s9;
	[sflag:s12] =	ssyncadd.s32 $0xFFFFFF80  }
0x39: {  	[tilespmem:s13], [sflag:$0x2] =	stream.linear.gather [hbm4b:s31+s2], $0x80, $0x38;
	[tilespmem:$0x17D00] =	vst v63  }
0x3a: {  	_ =	swait.ge [sflag:s12], $0x80  }
0x3b: {  	[sflag:s12] =	ssyncset.done $0x0  }
0x3c: {  	[sflag:s12] =	ssyncadd.s32 $0xFFFFFF80  }
0x3d: {  	[tilespmem:s14], [sflag:$0x1] =	stream.indirect.gather [hbm4b:s4+s13], $0x80, s2, s13, $0xb8;
	[tilespmem:$0x17D00] =	vst v63  }
0x3e: {  	_ =	swait.ge [sflag:s15], $0x4000  }
0x3f: {  	[sflag:s15] =	ssyncset.done $0x0  }
0x40: {  	[sflag:s15] =	ssyncadd.s32 $0xFFFFC000  }
0x41: {  	[spmem:s1] =	stream.indirect.scatter.add.f32 [tilespmem:s14], [sflag:$0x2], $0x80, s13, s13, $0xb8;
	[tilespmem:$0x17D00] =	vst v63  }
0x42: {  	_ =	swait.ge [sflag:s12], $0x4000  }
0x43: {  	s16 =	sadd.s32 $0x1, s16;
	[sflag:s12] =	ssyncset.done $0x0  }
0x44: {  	p0 =	sne.s32 s16, s7;
	[sflag:s12] =	ssyncadd.s32 $0xFFFFC000  }
.Ltmp1:
0x45: {  	[bflag:$0x0] =	sbarrier.arrive $0xFFFF;
	(pc) =	sbr.rel @p0 .LBB2_1-.Ltmp1, $4  }
0x46: {  	[hbm:s8], [sflag:s6] =	dma.local [spmem:s11], $0x2780  }
0x47: {  	_ =	swait.ge [sflag:s12], $0x2780  }
0x48: {  	[sflag:s12] =	ssyncset.done $0x0  }
0x49: {  	[sflag:s12] =	ssyncadd.s32 $0xFFFFD880  }
0x4a: {  	_ =	sfence.sel $0x180000  }
0x4b: {  	[bflag:$0x0] =	sbarrier.arrive $0xFFFF  }
0x4c: {  	p0 =	sne.s32 s3, $0x0;
	_ =	strace $0x9000004D  }
0x4d: {  	s0 =	sadd.s32 @!p0 $0x100000, s0;
	[bflag:$0x2] =	sbarrier.arrive $0xFFFF  }
0x4e: {  	[sflag:s0] =	ssyncadd.tile.s32 @!p0 $0x1;
	_ =	shalt  }
.Lfunc_end2:
_tile_overlayer_lowered:
.L_overlay_start_2:
0x4f: {  	(tag) =	ssettag $0x2  }
0x50: {  	s0 =	rddreg [dreg:$0x0];
	s2 =	stileid.u32  }
0x51: {  	s1 =	rddreg [dreg:$0x1];
	p0 =	sne.s32 s2, $0x0  }
0x52: {  	s3 =	rddreg [dreg:$0x2];
	[bflag:$0x3] =	sbarrier.arrive $0xFFFF;
	s2 =	simm.s32 @!p0 $0x1C02  }
0x53: {  	[timem:s3], [sflag:s2] =	dma.local @!p0 [hbm:s0], s1  }
0x54: {  	s0 =	simm.s32 @!p0 $0x2  }
0x55: {  	_ =	swait.ge @!p0 [sflag:s0], s1  }
0x56: {  	s1 =	ssub.s32 @!p0 $0x0, s1;
	[sflag:s0] =	ssyncset.done @!p0 $0x0  }
0x57: {  	[sflag:s0] =	ssyncadd.s32 @!p0 s1  }
0x58: {  	[bflag:$0x3] =	sbarrier.arrive $0xFFFF  }
0x59: {  	_ =	shalt  }

// kernel: kernel.8.cloned.1.call-start
scs
__scs_entry_jumppad:
0x0: {  	(pc) =	sbr.rel $0x88, $3  }
0x1: {  	(tag) =	ssettag $0x0;
	lr =	simm.s32 $0x1  }
0x2: {  	[smem:$0x3F98] =	sst lr;
	_ =	strace $0xD0000000  }
0x3: {  	_ = 	snop  }
0x4: {  	_ = 	snop  }
0x5: {  	_ = 	snop  }
0x6: {  	_ = 	snop  }
0x7: {  	_ = 	snop  }
__scs_overlays_trampoline_lowered:
0x8: {  	[smem:$0x3FA7] =	sst s0  }
0x9: {  	[smem:$0x3FA8] =	sst s1  }
0xa: {  	[smem:$0x3FA9] =	sst s2  }
0xb: {  	[smem:$0x3FAA] =	sst s3  }
0xc: {  	[smem:$0x3FAB] =	sst s4  }
0xd: {  	[smem:$0x3FAC] =	sst s5  }
0xe: {  	[smem:$0x3FAD] =	sst s6  }
0xf: {  	[smem:$0x3FAE] =	sst s7  }
0x10: {  	[smem:$0x3FAF] =	sst s8  }
0x11: {  	[smem:$0x3FB0] =	sst s9;
	s0 =	simm.s32 @!p0 $0x0  }
0x12: {  	s1 =	sld [smem:$0x3F96];
	s0 =	simm.s32 @p0 $0x1  }
0x13: {  	[smem:$0x3FB1] =	sst s0;
	s0 =	simm.s32 @!p1 $0x0  }
0x14: {  	s2 =	sld [smem:$0x3F95];
	s0 =	simm.s32 @p1 $0x1  }
0x15: {  	[smem:$0x3FB2] =	sst s0;
	s0 =	simm.s32 @!p2 $0x0  }
0x16: {  	s3 =	sld [smem:$0x3FDB];
	s0 =	simm.s32 @p2 $0x1  }
0x17: {  	s4 =	simm.s32 $0x1BF5;
	[smem:$0x3FB4] =	sst s0  }
0x18: {  	s0 =	sld [smem:$0x3F97];
	_ =	swait.ge [sflag:s4], $0x0  }
0x19: {  	s7 =	sld [smem:$0x3F98]  }
0x1a: {  	s8 =	sadd.s32 $0xFFFFE003, lr  }
0x1b: {  	s9 =	sadd.s32 $0xFFFFFEF7, lr;
	s5 =	simm.s32 $0xFFFFFFFF;
	p2 =	slt.u32 s8, $0xFFFFF086  }
0x1c: {  	p1 =	slt.u32 s9, $0xF7A;
	s5 =	simm.s32 @!p2 $0x0  }
0x1d: {  	s5 =	simm.s32 @p1 $0x1;
	p0 =	seq.s32 s7, s2  }
0x1e: {  	s7 =	smul.u32 @!p0 $0xF7A, s2;
	p2 =	seq.s32 @!p0 s5, $0x0  }
0x1f: {  	s9 =	smul.u32 $0xF7A, s1;
	s8 =	simm.s32 @!p0 $0x1BF5;
	p2 =	por !p2, p0  }
0x20: {  	[sflag:s8] =	ssyncset.s32 @!p0 $0xFFFFF086;
	s6 =	sadd.s32 @!p0 s3, s7;
	s7 =	simm.s32 @!p0 $0x108  }
0x21: {  	s3 =	sadd.s32 s3, s9;
	s6 =	sadd.s32 @!p0 $0x88, s6;
	s7 =	simm.s32 @p2 $0x1082  }
0x22: {  	[simem:s7], [sflag:s8] =	dma.local @!p0 [hbm:s6], $0xF7A  }
0x23: {  	s9 =	sor.u32 $0xD0000000, s2;
	s6 =	simm.s32 $0x108;
	_ =	swait.ge @!p0 [sflag:s8], $0x0  }
0x24: {  	s3 =	sadd.s32 $0x88, s3;
	s6 =	simm.s32 @!p1 $0x1082;
	[sflag:s4] =	ssyncset.s32 $0xFFFFF086  }
0x25: {  	[simem:s6], [sflag:s4] =	dma.local [hbm:s3], $0xF7A  }
0x26: {  	[smem:$0x3F98] =	sst s1;
	(tag) =	ssettag s2;
	_ =	strace s9  }
0x27: {  	s1 =	sld [smem:$0x3FA8]  }
0x28: {  	s2 =	sld [smem:$0x3FA9]  }
0x29: {  	s4 =	sld [smem:$0x3FAB]  }
0x2a: {  	p0 =	seq.s32 s5, $0x0;
	s5 =	sld [smem:$0x3FAC]  }
0x2b: {  	s6 =	sld [smem:$0x3FAD]  }
0x2c: {  	s7 =	sld [smem:$0x3FAE]  }
0x2d: {  	s3 =	simm.s32 $0x108;
	s8 =	sld [smem:$0x3FAF]  }
0x2e: {  	s3 =	simm.s32 @!p0 $0x1082;
	s9 =	sld [smem:$0x3FB0]  }
0x2f: {  	lr =	sadd.s32 s0, s3;
	s0 =	sld [smem:$0x3FA7]  }
0x30: {  	s3 =	sld [smem:$0x3FAA]  }
0x31: {  	[smem:$0x3FB3] =	sst s10  }
0x32: {  	s10 =	sld [smem:$0x3FB1];
	_ =	sdelay $0x3  }
0x33: {  	p0 =	seq.s32 s10, $0x1;
	s10 =	sld [smem:$0x3FB3];
	_ =	sdelay $0x3  }
0x34: {  	[smem:$0x3FB3] =	sst s10  }
0x35: {  	s10 =	sld [smem:$0x3FB2];
	_ =	sdelay $0x3  }
0x36: {  	p1 =	seq.s32 s10, $0x1;
	s10 =	sld [smem:$0x3FB3];
	_ =	sdelay $0x3  }
0x37: {  	[smem:$0x3FB3] =	sst s10  }
0x38: {  	s10 =	sld [smem:$0x3FB4]  }
0x39: {  	_ = 	snop;
	(pc) =	sbr.ind lr, $3  }
0x3a: {  	_ = 	snop  }
0x3b: {  	_ = 	snop  }
0x3c: {  	p2 =	seq.s32 s10, $0x1;
	s10 =	sld [smem:$0x3FB3]  }
0x3d: {  	_ =	shalt  }
0x3e: {  	_ =	shalt  }
0x3f: {  	_ =	shalt  }
0x40: {  	_ =	shalt  }
0x41: {  	_ =	shalt  }
0x42: {  	_ =	shalt  }
0x43: {  	_ =	shalt  }
0x44: {  	_ =	shalt  }
0x45: {  	_ =	shalt  }
0x46: {  	_ =	shalt  }
0x47: {  	_ =	shalt  }
0x48: {  	_ =	shalt  }
0x49: {  	_ =	shalt  }
0x4a: {  	_ =	shalt  }
0x4b: {  	_ =	shalt  }
0x4c: {  	_ =	shalt  }
0x4d: {  	_ =	shalt  }
0x4e: {  	_ =	shalt  }
0x4f: {  	_ =	shalt  }
0x50: {  	_ =	shalt  }
0x51: {  	_ =	shalt  }
0x52: {  	_ =	shalt  }
0x53: {  	_ =	shalt  }
0x54: {  	_ =	shalt  }
0x55: {  	_ =	shalt  }
0x56: {  	_ =	shalt  }
0x57: {  	_ =	shalt  }
0x58: {  	_ =	shalt  }
0x59: {  	_ =	shalt  }
0x5a: {  	_ =	shalt  }
0x5b: {  	_ =	shalt  }
0x5c: {  	_ =	shalt  }
0x5d: {  	_ =	shalt  }
0x5e: {  	_ =	shalt  }
0x5f: {  	_ =	shalt  }
0x60: {  	_ =	shalt  }
0x61: {  	_ =	shalt  }
0x62: {  	_ =	shalt  }
0x63: {  	_ =	shalt  }
0x64: {  	_ =	shalt  }
0x65: {  	_ =	shalt  }
0x66: {  	_ =	shalt  }
0x67: {  	_ =	shalt  }
0x68: {  	_ =	shalt  }
0x69: {  	_ =	shalt  }
0x6a: {  	_ =	shalt  }
0x6b: {  	_ =	shalt  }
0x6c: {  	_ =	shalt  }
0x6d: {  	_ =	shalt  }
0x6e: {  	_ =	shalt  }
0x6f: {  	_ =	shalt  }
0x70: {  	_ =	shalt  }
0x71: {  	_ =	shalt  }
0x72: {  	_ =	shalt  }
0x73: {  	_ =	shalt  }
0x74: {  	_ =	shalt  }
0x75: {  	_ =	shalt  }
0x76: {  	_ =	shalt  }
0x77: {  	_ =	shalt  }
0x78: {  	_ =	shalt  }
0x79: {  	_ =	shalt  }
0x7a: {  	_ =	shalt  }
0x7b: {  	_ =	shalt  }
0x7c: {  	_ =	shalt  }
0x7d: {  	_ =	shalt  }
0x7e: {  	_ =	shalt  }
0x7f: {  	_ =	shalt  }
0x80: {  	_ =	shalt  }
0x81: {  	_ =	shalt  }
0x82: {  	_ =	shalt  }
0x83: {  	_ =	shalt  }
0x84: {  	_ =	shalt  }
0x85: {  	_ =	shalt  }
0x86: {  	_ =	shalt  }
0x87: {  	_ =	shalt  }
.Lfunc_end0:
.L_simem_size_0:
called_computation_lowered:
.L_overlay_start_0:
0x88: {  	s2 =	sld [smem:$0x3FD9]  }
0x89: {  	s3 =	sld [smem:$0x3FFE];
	_ =	sdelay $0x1  }
0x8a: {  	s1 =	srdreg.scid  }
0x8b: {  	s0 =	sand.u32 $0x1, s1  }
0x8c: {  	s16 =	sshll.u32 s0, $0xA;
	s2 =	sadd.s32 s3, s2  }
0x8d: {  	s2 =	sadd.s32 s2, s16  }
0x8e: {  	[smem:$0x3FBF] =	sst s2  }
0x8f: {  	_ = 	snop  }
0x90: {  	(tm) =	ssettm $0x1  }
0x91: {  	s17 =	sld [smem:$0x3FFB];
	_ =	sdelay $0x3  }
0x92: {  	_ =	strace s17  }
0x93: {  	s2 =	sld [smem:$0x3FFC];
	_ =	sdelay $0x3  }
0x94: {  	_ =	strace s2  }
0x95: {  	s2 =	sld [smem:$0x3FFD];
	_ =	sdelay $0x3  }
0x96: {  	_ =	strace s2  }
0x97: {  	_ =	strace $0x8FFFFFFF  }
0x98: {  	s18 =	sld [smem:$0x3FDB];
	_ =	sdelay $0x1  }
0x99: {  	s19 =	simm.s32 $_scs_section_size  }
0x9a: {  	s4 =	simm.s32 $_size__tile_overlayer_lowered;
	s5 =	simm.s32 $_tile_overlayer_lowered  }
0x9b: {  	s22 =	simm.s32 $0x1BFF;
	s21 =	sshll.u32 s5, $0x1;
	s2 =	sadd.s32 s19, s18  }
0x9c: {  	s6 =	simm.s32 $0x0;
	s20 =	sshll.u32 s4, $0x1;
	s4 =	sadd.s32 s21, s2  }
0x9d: {  	[timem:s6], [sflag:s22] =	dma.local [hbm:s4], s20  }
0x9e: {  	_ =	swait.ge [sflag:s22], s20  }
0x9f: {  	s3 =	ssub.s32 $0x0, s20;
	[sflag:s22] =	ssyncset.done $0x0  }
0xa0: {  	[sflag:s22] =	ssyncadd.s32 s3;
	_ =	sdelay $0x1  }
0xa1: {  	s23 =	simm.s32 $0x1B8B  }
0xa2: {  	_ =	swait.ge [sflag:s23], $0x1  }
0xa3: {  	[sflag:s23] =	ssyncset.done $0x0  }
0xa4: {  	s25 =	simm.s32 $0x1B8E;
	s24 =	sld [smem:$0x3FFE];
	[sflag:s23] =	ssyncadd.s32 $0xFFFFFFFF  }
0xa5: {  	s26 =	simm.s32 $execute0_lowered;
	[smem:$0x3FD2] =	sst s25  }
0xa6: {  	s4 =	sshll.u32 s26, $0x1;
	_ =	strace $0x80000046;
	[dreg:$0x1] =	wrdreg $0xFFFFFFFF  }
0xa7: {  	s28 =	simm.s32 $_size_execute0_lowered;
	s2 =	sadd.s32 s2, s4;
	[dreg:$0x0] =	wrdreg $0x0  }
0xa8: {  	s4 =	sshll.u32 s28, $0x1;
	[dreg:$0x2] =	wrdreg s2  }
0xa9: {  	[dreg:$0x3] =	wrdreg s4  }
0xaa: {  	[dreg:$0x4] =	wrdreg $0xC0  }
0xab: {  	_ =	task [dreg:s6], $0x5FFFF  }
0xac: {  	[dreg:$0x1] =	wrdreg $0xFFFFFFFF  }
0xad: {  	[dreg:$0x0] =	wrdreg $0x60  }
0xae: {  	[dreg:$0x2] =	wrdreg s24  }
0xaf: {  	[dreg:$0x3] =	wrdreg $0x44000  }
0xb0: {  	[dreg:$0x4] =	wrdreg $0x9  }
0xb1: {  	_ =	task.clear_ibuf [dreg:s6], $0x5FFFF;
	_ =	strace $0x90000046  }
0xb2: {  	s29 =	simm.s32 $0x9;
	_ =	strace $0x80000048  }
0xb3: {  	_ =	swait.ge [sflag:s29], $0x1  }
0xb4: {  	[sflag:s29] =	ssyncadd.s32 $0xFFFFFFFF  }
0xb5: {  	_ =	strace $0x90000048  }
0xb6: {  	_ =	sfence  }
0xb7: {  	s30 =	sld [smem:$0x0];
	_ =	sdelay $0x2  }
0xb8: {  	s31 =	sshll.u32 s1, $0xD;
	s1 =	sshrl.u32 s1, $0x2  }
0xb9: {  	s3 =	sand.u32 $0x4000, s31;
	s1 =	sadd.s32 s1, s30  }
0xba: {  	s0 =	sor.u32 s3, s0;
	s1 =	sshll.u32 s1, $0x11  }
0xbb: {  	s0 =	sor.u32 s1, s0  }
0xbc: {  	s0 =	sadd.s32 $0x8F2B, s0  }
0xbd: {  	[sflag:s0] =	ssyncadd.remote.s32 $0x1  }
0xbe: {  	_ =	sfence.sel $0xFFFF  }
0xbf: {  	[dreg:$0x0] =	wrdreg $0xFFFFFFFF;
	(pc) =	sbr.abs _section_cstart, $3  }
0xc0: {  	[dreg:$0x1] =	wrdreg $0xFFFFFFFF  }
0xc1: {  	_ =	task.clear_ibuf [dreg:s6], $0x2FFFF;
	_ =	strace $0x9FFFFFFF  }
0xc2: {  	(tm) =	ssettm $0x7FFFFFFF  }
0xc3: {  	_ =	shalt  }
tec
execute0_lowered:
.L_overlay_start_1:
0x0: {  	(tag) =	ssettag $0x1  }
0x1: {  	s4 =	rddreg [dreg:$0x0]  }
0x2: {  	s2 =	rddreg [dreg:$0x1]  }
0x3: {  	s3 =	srdreg.scid;
	s0 =	stileid.u32  }
0x4: {  	s17 =	simm.s32 $0x200;
	s18 =	simm.s32 $0x80;
	s19 =	simm.s32 $0x300  }
0x5: {  	s20 =	simm.s32 $0x2;
	s21 =	simm.s32 $0x180;
	s22 =	simm.s32 $0x5  }
0x6: {  	s23 =	simm.s32 $0x4;
	s24 =	simm.s32 $0x380;
	s25 =	simm.s32 $0x6  }
0x7: {  	s26 =	simm.s32 $0x0;
	s8 =	sand.u32 $0x1, s3;
	s5 =	smul.u32 $0x2780, s0  }
0x8: {  	s3 =	simm.s32 $0x0;
	s7 =	smul.u32 $0x4F000, s0;
	s9 =	sadd.s32 $0x18000, s4  }
0x9: {  	s13 =	smul.u32 $0x50, s0;
	s1 =	sadd.s32 $0x53800, s4;
	s31 =	sshll.u32 s0, $0x6  }
0xa: {  	s6 =	sshll.u32 s8, $0x4;
	[smem:$0x7FF] =	sst s3;
	s10 =	ssub.s32 $0x2, s8  }
0xb: {  	s11 =	smul.u32 $0x500, s8;
	p0 =	seq.s32 s8, $0x1;
	s6 =	sor.u32 s0, s6  }
0xc: {  	_ =	strace $0x80000047;
	s12 =	sadd.s32 s5, s4;
	[dreg:$0x5] =	wrdreg s1  }
0xd: {  	s29 =	sshrl.u32 s10, $0x1;
	s30 =	sshrl.u32 s7, $0x2;
	[dreg:$0x4] =	wrdreg s17  }
0xe: {  	s17 =	simm.s32 $0x1;
	s6 =	smul.u32 $0xA00, s6;
	s10 =	ssub.s32 s10, s29  }
0xf: {  	s15 =	sadd.s32 s30, s2;
	s11 =	sadd.s32 s13, s11;
	s13 =	simm.s32 $0x7B800  }
0x10: {  	s11 =	sshll.u32 s11, $0x5;
	s13 =	simm.s32 @!p0 $0x54000;
	s15 =	sshrl.u32 s15, $0x3  }
0x11: {  	s5 =	sadd.s32 s9, s6;
	s6 =	sadd.s32 $0x2C000, s12;
	s8 =	sadd.s32 s11, s9  }
0x12: {  	s9 =	smax.u32 s10, $0x1;
	s10 =	sadd.s32 s13, s12;
	s12 =	simm.s32 $0x400  }
0x13: {  	s13 =	simm.s32 $0x7;
	s7 =	sadd.s32 $0x20, s5;
	s14 =	sadd.s32 $0x40, s8  }
0x14: {  	s11 =	sadd.s32 $0x80, s8;
	[dreg:$0x3] =	wrdreg s14;
	s14 =	sor.u32 $0x1C07, s31  }
.LBB2_1:
0x15: {  	s0 =	rddreg [dreg:$0x5]  }
0x16: {  	[tilespmem:s12], [sflag:$0x7] =	stream.linear.gather [hbm4b:s0+s3], $0x4000, $0x38;
	[tilespmem:$0x18000] =	vst v63  }
0x17: {  	_ =	swait.ge [sflag:s13], $0x4000  }
0x18: {  	[sflag:s13] =	ssyncset.done $0x0  }
0x19: {  	[sflag:s13] =	ssyncadd.s32 $0xFFFFC000  }
0x1a: {  	[spmem:s15], [sflag:s14] =	dma.local [hbm:s6], $0x2780  }
0x1b: {  	_ =	swait.ge [sflag:s13], $0x2780  }
0x1c: {  	[sflag:s13] =	ssyncset.done $0x0  }
0x1d: {  	[sflag:s13] =	ssyncadd.s32 $0xFFFFD880  }
0x1e: {  	p0 =	por $0x1, $0x1;
	[bflag:$0x0] =	sbarrier.arrive $0xFFFF  }
0x1f: {  	[tilespmem:s3], [sflag:$0x1] =	stream.linear.gather [hbm4b:s5+s3], $0x100, $0x38;
	[tilespmem:$0x18000] =	vst v63  }
0x20: {  	s31 =	simm.s32 $0x100;
	s28 =	simm.s32 @!p0 $0x5  }
0x21: {  	[tilespmem:s31], [sflag:$0x2] =	stream.linear.gather [hbm4b:s7+s3], $0x100, $0x38;
	[tilespmem:$0x18000] =	vst v63  }
0x22: {  	_ =	swait.ge @!p0 [sflag:s28], $0x4000  }
0x23: {  	s29 =	rddreg [dreg:$0x3];
	[sflag:s28] =	ssyncset.done @!p0 $0x0  }
0x24: {  	s30 =	rddreg [dreg:$0x4];
	[sflag:s28] =	ssyncadd.s32 @!p0 $0xFFFFC000;
	s28 =	sadd.s32 $0x0, s29  }
0x25: {  	[tilespmem:s30], [sflag:$0x3] =	stream.linear.gather [hbm4b:s28+s3], $0x100, $0x38;
	[tilespmem:$0x18000] =	vst v63  }
0x26: {  	_ =	swait.ge [sflag:s17], $0x100  }
0x27: {  	[sflag:s17] =	ssyncset.done $0x0  }
0x28: {  	s28 =	simm.s32 @!p0 $0x6;
	[sflag:s17] =	ssyncadd.s32 $0xFFFFFF00  }
0x29: {  	[spmem:s2] =	stream.indirect.scatter.add.f32 [tilespmem:s12], [sflag:$0x5], $0x80, s18, s18, $0xb8;
	[tilespmem:$0x18000] =	vst v63  }
0x2a: {  	_ =	swait.ge @!p0 [sflag:s28], $0x4000  }
0x2b: {  	s29 =	sadd.s32 $0x0, s8;
	[sflag:s28] =	ssyncset.done @!p0 $0x0  }
0x2c: {  	[sflag:s28] =	ssyncadd.s32 @!p0 $0xFFFFC000;
	s28 =	sadd.s32 $0x60, s29  }
0x2d: {  	[tilespmem:s19], [sflag:$0x4] =	stream.linear.gather [hbm4b:s28+s3], $0x100, $0x38;
	[tilespmem:$0x18000] =	vst v63  }
0x2e: {  	_ =	swait.ge [sflag:s20], $0x100  }
0x2f: {  	[sflag:s20] =	ssyncset.done $0x0  }
0x30: {  	[sflag:s20] =	ssyncadd.s32 $0xFFFFFF00  }
0x31: {  	[spmem:s2] =	stream.indirect.scatter.add.f32 [tilespmem:s12], [sflag:$0x6], $0x80, s21, s18, $0xb8;
	[tilespmem:$0x18000] =	vst v63  }
0x32: {  	_ =	swait.ge [sflag:s22], $0x4000  }
0x33: {  	p0 =	por $0x0, $0x0;
	[sflag:s22] =	ssyncset.done $0x0  }
0x34: {  	s28 =	simm.s32 @p0 $0x3;
	[sflag:s22] =	ssyncadd.s32 $0xFFFFC000  }
0x35: {  	_ =	swait.ge @p0 [sflag:s28], $0x100  }
0x36: {  	s29 =	simm.s32 @p0 $0x400;
	s30 =	simm.s32 @p0 $0x6;
	[sflag:s28] =	ssyncset.done @p0 $0x0  }
0x37: {  	s31 =	simm.s32 @p0 $0x280;
	[sflag:s28] =	ssyncadd.s32 @p0 $0xFFFFFF00;
	s28 =	simm.s32 @p0 $0x80  }
0x38: {  	[spmem:s2] =	stream.indirect.scatter.add.f32 @p0 [tilespmem:s29], [sflag:$0x5], $0x80, s31, s28, $0xb8;
	[tilespmem:$0x18000] =	vst v63  }
0x39: {  	_ =	swait.ge @p0 [sflag:s30], $0x4000  }
0x3a: {  	s28 =	simm.s32 @!p0 $0x3;
	[sflag:s30] =	ssyncset.done @p0 $0x0  }
0x3b: {  	s29 =	sadd.s32 @!p0 $0x0, s11;
	[sflag:s30] =	ssyncadd.s32 @p0 $0xFFFFC000;
	s30 =	simm.s32 @!p0 $0x0  }
0x3c: {  	[tilespmem:s30], [sflag:$0x1] =	stream.linear.gather @!p0 [hbm4b:s29+s30], $0x100, $0x38;
	[tilespmem:$0x18000] =	vst v63  }
0x3d: {  	_ =	swait.ge @!p0 [sflag:s28], $0x100  }
0x3e: {  	s31 =	simm.s32 @!p0 $0x280;
	[sflag:s28] =	ssyncset.done @!p0 $0x0  }
0x3f: {  	s29 =	simm.s32 @!p0 $0x400;
	[sflag:s28] =	ssyncadd.s32 @!p0 $0xFFFFFF00;
	s28 =	simm.s32 @!p0 $0x80  }
0x40: {  	[spmem:s2] =	stream.indirect.scatter.add.f32 @!p0 [tilespmem:s29], [sflag:$0x5], $0x80, s31, s28, $0xb8;
	[tilespmem:$0x18000] =	vst v63  }
0x41: {  	s28 =	simm.s32 @!p0 $0x6  }
0x42: {  	_ =	swait.ge @!p0 [sflag:s28], $0x4000  }
0x43: {  	s29 =	sadd.s32 @!p0 $0x0, s8;
	[sflag:s28] =	ssyncset.done @!p0 $0x0  }
0x44: {  	s29 =	sadd.s32 @!p0 $0xA0, s29;
	[sflag:s28] =	ssyncadd.s32 @!p0 $0xFFFFC000;
	s28 =	simm.s32 @!p0 $0x100  }
0x45: {  	[tilespmem:s28], [sflag:$0x2] =	stream.linear.gather @!p0 [hbm4b:s29+s30], $0x100, $0x38;
	[tilespmem:$0x18000] =	vst v63  }
0x46: {  	p1 =	por $0x0, $0x0;
	_ =	swait.ge [sflag:s23], $0x100  }
0x47: {  	s28 =	simm.s32 $0x80;
	s29 =	simm.s32 $0x100;
	[sflag:s23] =	ssyncset.done $0x0  }
.LBB2_2:
0x48: {  	s31 =	simm.s32 @!p1 $0x5;
	[sflag:s23] =	ssyncadd.s32 $0xFFFFFF00  }
0x49: {  	[spmem:s2] =	stream.indirect.scatter.add.f32 [tilespmem:s12], [sflag:$0x6], $0x80, s24, s18, $0xb8;
	[tilespmem:$0x18000] =	vst v63  }
0x4a: {  	_ =	swait.ge @!p1 [sflag:s31], $0x4000  }
0x4b: {  	[sflag:s31] =	ssyncset.done @!p1 $0x0;
	s0 =	rddreg [dreg:$0x3]  }
0x4c: {  	s4 =	rddreg [dreg:$0x4];
	[sflag:s31] =	ssyncadd.s32 @!p1 $0xFFFFC000;
	s0 =	sadd.s32 s28, s0  }
0x4d: {  	[tilespmem:s4], [sflag:$0x3] =	stream.linear.gather [hbm4b:s0+s3], $0x100, $0x38;
	[tilespmem:$0x18000] =	vst v63  }
0x4e: {  	_ =	swait.ge [sflag:s17], $0x100  }
0x4f: {  	[sflag:s17] =	ssyncset.done $0x0  }
0x50: {  	s0 =	simm.s32 @!p1 $0x6;
	[sflag:s17] =	ssyncadd.s32 $0xFFFFFF00  }
0x51: {  	[spmem:s2] =	stream.indirect.scatter.add.f32 [tilespmem:s12], [sflag:$0x5], $0x80, s18, s18, $0xb8;
	[tilespmem:$0x18000] =	vst v63  }
0x52: {  	_ =	swait.ge @!p1 [sflag:s0], $0x4000  }
0x53: {  	s16 =	sadd.s32 s28, s8;
	[sflag:s0] =	ssyncset.done @!p1 $0x0  }
0x54: {  	s31 =	sadd.s32 $0x60, s16;
	[sflag:s0] =	ssyncadd.s32 @!p1 $0xFFFFC000  }
0x55: {  	[tilespmem:s19], [sflag:$0x4] =	stream.linear.gather [hbm4b:s31+s3], $0x100, $0x38;
	[tilespmem:$0x18000] =	vst v63  }
0x56: {  	_ =	swait.ge [sflag:s20], $0x100  }
0x57: {  	[sflag:s20] =	ssyncset.done $0x0  }
0x58: {  	[sflag:s20] =	ssyncadd.s32 $0xFFFFFF00  }
0x59: {  	[spmem:s2] =	stream.indirect.scatter.add.f32 [tilespmem:s12], [sflag:$0x6], $0x80, s21, s18, $0xb8;
	[tilespmem:$0x18000] =	vst v63  }
0x5a: {  	_ =	swait.ge [sflag:s22], $0x4000  }
0x5b: {  	p1 =	seq.s32 s28, $0x980;
	[sflag:s22] =	ssyncset.done $0x0  }
0x5c: {  	s0 =	simm.s32 @p1 $0x3;
	[sflag:s22] =	ssyncadd.s32 $0xFFFFC000  }
0x5d: {  	_ =	swait.ge @p1 [sflag:s0], $0x100  }
0x5e: {  	s1 =	simm.s32 @p1 $0x400;
	s16 =	simm.s32 @p1 $0x6;
	[sflag:s0] =	ssyncset.done @p1 $0x0  }
0x5f: {  	s4 =	simm.s32 @p1 $0x280;
	[sflag:s0] =	ssyncadd.s32 @p1 $0xFFFFFF00;
	s0 =	simm.s32 @p1 $0x80  }
0x60: {  	[spmem:s2] =	stream.indirect.scatter.add.f32 @p1 [tilespmem:s1], [sflag:$0x5], $0x80, s4, s0, $0xb8;
	[tilespmem:$0x18000] =	vst v63  }
0x61: {  	s30 =	smov.u32 s29;
	_ =	swait.ge @p1 [sflag:s16], $0x4000  }
0x62: {  	s29 =	sadd.s32 $0x80, s29;
	s0 =	simm.s32 @!p1 $0x3;
	[sflag:s16] =	ssyncset.done @p1 $0x0  }
0x63: {  	s1 =	sadd.s32 @!p1 s28, s11;
	s4 =	simm.s32 @!p1 $0x0;
	[sflag:s16] =	ssyncadd.s32 @p1 $0xFFFFC000  }
0x64: {  	[tilespmem:s4], [sflag:$0x1] =	stream.linear.gather @!p1 [hbm4b:s1+s4], $0x100, $0x38;
	[tilespmem:$0x18000] =	vst v63  }
0x65: {  	s31 =	sadd.s32 @!p1 s28, s8;
	s28 =	smov.u32 s30;
	_ =	swait.ge @!p1 [sflag:s0], $0x100  }
0x66: {  	s30 =	simm.s32 @!p1 $0x280;
	s16 =	simm.s32 @!p1 $0x6;
	[sflag:s0] =	ssyncset.done @!p1 $0x0  }
0x67: {  	s1 =	simm.s32 @!p1 $0x400;
	[sflag:s0] =	ssyncadd.s32 @!p1 $0xFFFFFF00;
	s0 =	simm.s32 @!p1 $0x80  }
0x68: {  	[spmem:s2] =	stream.indirect.scatter.add.f32 @!p1 [tilespmem:s1], [sflag:$0x5], $0x80, s30, s0, $0xb8;
	[tilespmem:$0x18000] =	vst v63  }
0x69: {  	p0 =	sne.s32 s29, $0xA00;
	_ =	swait.ge @!p1 [sflag:s16], $0x4000  }
.Ltmp0:
0x6a: {  	[sflag:s16] =	ssyncset.done @!p1 $0x0;
	(pc) =	sbr.rel @p0 .LBB2_2-.Ltmp0, $4  }
0x6b: {  	s31 =	sadd.s32 @!p1 $0xA0, s31;
	s0 =	simm.s32 @!p1 $0x100;
	[sflag:s16] =	ssyncadd.s32 @!p1 $0xFFFFC000  }
0x6c: {  	[tilespmem:s0], [sflag:$0x2] =	stream.linear.gather @!p1 [hbm4b:s31+s4], $0x100, $0x38;
	[tilespmem:$0x18000] =	vst v63  }
0x6d: {  	_ =	swait.ge [sflag:s23], $0x100  }
0x6e: {  	p1 =	seq.s32 s28, $0x0;
	[sflag:s23] =	ssyncset.done $0x0  }
0x6f: {  	s0 =	simm.s32 @!p1 $0x5;
	[sflag:s23] =	ssyncadd.s32 $0xFFFFFF00  }
0x70: {  	[spmem:s2] =	stream.indirect.scatter.add.f32 [tilespmem:s12], [sflag:$0x6], $0x80, s24, s18, $0xb8;
	[tilespmem:$0x18000] =	vst v63  }
0x71: {  	_ =	swait.ge @!p1 [sflag:s0], $0x4000  }
0x72: {  	s1 =	rddreg [dreg:$0x3];
	[sflag:s0] =	ssyncset.done @!p1 $0x0  }
0x73: {  	s4 =	rddreg [dreg:$0x4];
	[sflag:s0] =	ssyncadd.s32 @!p1 $0xFFFFC000;
	s29 =	sadd.s32 s28, s1  }
0x74: {  	[tilespmem:s4], [sflag:$0x3] =	stream.linear.gather [hbm4b:s29+s3], $0x100, $0x38;
	[tilespmem:$0x18000] =	vst v63  }
0x75: {  	_ =	swait.ge [sflag:s17], $0x100  }
0x76: {  	[sflag:s17] =	ssyncset.done $0x0  }
0x77: {  	s0 =	simm.s32 @!p1 $0x6;
	[sflag:s17] =	ssyncadd.s32 $0xFFFFFF00  }
0x78: {  	[spmem:s2] =	stream.indirect.scatter.add.f32 [tilespmem:s12], [sflag:$0x5], $0x80, s18, s18, $0xb8;
	[tilespmem:$0x18000] =	vst v63  }
0x79: {  	_ =	swait.ge @!p1 [sflag:s0], $0x4000  }
0x7a: {  	s30 =	sadd.s32 s28, s8;
	[sflag:s0] =	ssyncset.done @!p1 $0x0  }
0x7b: {  	s31 =	sadd.s32 $0x60, s30;
	[sflag:s0] =	ssyncadd.s32 @!p1 $0xFFFFC000  }
0x7c: {  	[tilespmem:s19], [sflag:$0x4] =	stream.linear.gather [hbm4b:s31+s3], $0x100, $0x38;
	[tilespmem:$0x18000] =	vst v63  }
0x7d: {  	_ =	swait.ge [sflag:s20], $0x100  }
0x7e: {  	[sflag:s20] =	ssyncset.done $0x0  }
0x7f: {  	[sflag:s20] =	ssyncadd.s32 $0xFFFFFF00  }
0x80: {  	[spmem:s2] =	stream.indirect.scatter.add.f32 [tilespmem:s12], [sflag:$0x6], $0x80, s21, s18, $0xb8;
	[tilespmem:$0x18000] =	vst v63  }
0x81: {  	_ =	swait.ge [sflag:s22], $0x4000  }
0x82: {  	p0 =	seq.s32 s28, $0x980;
	[sflag:s22] =	ssyncset.done $0x0  }
0x83: {  	s0 =	simm.s32 @p0 $0x3;
	[sflag:s22] =	ssyncadd.s32 $0xFFFFC000  }
0x84: {  	_ =	swait.ge @p0 [sflag:s0], $0x100  }
0x85: {  	s16 =	simm.s32 @p0 $0x280;
	s1 =	simm.s32 @p0 $0x400;
	[sflag:s0] =	ssyncset.done @p0 $0x0  }
0x86: {  	s4 =	simm.s32 @p0 $0x6;
	[sflag:s0] =	ssyncadd.s32 @p0 $0xFFFFFF00;
	s0 =	simm.s32 @p0 $0x80  }
0x87: {  	[spmem:s2] =	stream.indirect.scatter.add.f32 @p0 [tilespmem:s1], [sflag:$0x5], $0x80, s16, s0, $0xb8;
	[tilespmem:$0x18000] =	vst v63  }
0x88: {  	_ =	swait.ge @p0 [sflag:s4], $0x4000  }
0x89: {  	s0 =	simm.s32 @!p0 $0x3;
	[sflag:s4] =	ssyncset.done @p0 $0x0  }
0x8a: {  	s1 =	sadd.s32 @!p0 s28, s11;
	[sflag:s4] =	ssyncadd.s32 @p0 $0xFFFFC000;
	s4 =	simm.s32 @!p0 $0x0  }
0x8b: {  	[tilespmem:s4], [sflag:$0x1] =	stream.linear.gather @!p0 [hbm4b:s1+s4], $0x100, $0x38;
	[tilespmem:$0x18000] =	vst v63  }
0x8c: {  	_ =	swait.ge @!p0 [sflag:s0], $0x100  }
0x8d: {  	s29 =	simm.s32 @!p0 $0x280;
	s16 =	simm.s32 @!p0 $0x6;
	[sflag:s0] =	ssyncset.done @!p0 $0x0  }
0x8e: {  	s1 =	simm.s32 @!p0 $0x400;
	[sflag:s0] =	ssyncadd.s32 @!p0 $0xFFFFFF00;
	s0 =	simm.s32 @!p0 $0x80  }
0x8f: {  	[spmem:s2] =	stream.indirect.scatter.add.f32 @!p0 [tilespmem:s1], [sflag:$0x5], $0x80, s29, s0, $0xb8;
	[tilespmem:$0x18000] =	vst v63  }
0x90: {  	_ =	swait.ge @!p0 [sflag:s16], $0x4000  }
0x91: {  	s0 =	sadd.s32 @!p0 s28, s8;
	[sflag:s16] =	ssyncset.done @!p0 $0x0  }
0x92: {  	s1 =	simm.s32 @!p0 $0x100;
	s0 =	sadd.s32 @!p0 $0xA0, s0;
	[sflag:s16] =	ssyncadd.s32 @!p0 $0xFFFFC000  }
0x93: {  	[tilespmem:s1], [sflag:$0x2] =	stream.linear.gather @!p0 [hbm4b:s0+s4], $0x100, $0x38;
	[tilespmem:$0x18000] =	vst v63  }
0x94: {  	_ =	swait.ge [sflag:s23], $0x100  }
0x95: {  	[sflag:s23] =	ssyncset.done $0x0  }
0x96: {  	[sflag:s23] =	ssyncadd.s32 $0xFFFFFF00  }
0x97: {  	[spmem:s2] =	stream.indirect.scatter.add.f32 [tilespmem:s12], [sflag:$0x6], $0x80, s24, s18, $0xb8;
	[tilespmem:$0x18000] =	vst v63  }
0x98: {  	_ =	swait.ge [sflag:s22], $0x4000  }
0x99: {  	[sflag:s22] =	ssyncset.done $0x0  }
0x9a: {  	[sflag:s22] =	ssyncadd.s32 $0xFFFFC000  }
0x9b: {  	_ =	swait.ge [sflag:s25], $0x4000  }
0x9c: {  	s26 =	sadd.s32 $0x1, s26;
	[sflag:s25] =	ssyncset.done $0x0  }
0x9d: {  	p0 =	sne.s32 s26, s9;
	[sflag:s25] =	ssyncadd.s32 $0xFFFFC000  }
.Ltmp1:
0x9e: {  	[bflag:$0x0] =	sbarrier.arrive $0xFFFF;
	(pc) =	sbr.rel @p0 .LBB2_1-.Ltmp1, $4  }
0x9f: {  	[hbm:s10], [sflag:s14] =	dma.local [spmem:s15], $0x2780  }
0xa0: {  	_ =	swait.ge [sflag:s13], $0x2780  }
0xa1: {  	[sflag:s13] =	ssyncset.done $0x0  }
0xa2: {  	[sflag:s13] =	ssyncadd.s32 $0xFFFFD880  }
0xa3: {  	_ =	sfence.sel $0x180000  }
0xa4: {  	[bflag:$0x0] =	sbarrier.arrive $0xFFFF  }
0xa5: {  	_ =	strace $0x90000047  }
0xa6: {  	s0 =	stileid.u32;
	[bflag:$0x2] =	sbarrier.arrive $0xFFFF  }
0xa7: {  	p0 =	sne.s32 s0, $0x0;
	s0 =	rddreg [dreg:$0x2]  }
0xa8: {  	s0 =	sadd.s32 @!p0 $0x100000, s0  }
0xa9: {  	[sflag:s0] =	ssyncadd.tile.s32 @!p0 $0x1;
	_ =	shalt  }
.Lfunc_end2:
_tile_overlayer_lowered:
.L_overlay_start_2:
0xaa: {  	(tag) =	ssettag $0x2  }
0xab: {  	s0 =	rddreg [dreg:$0x0];
	s2 =	stileid.u32  }
0xac: {  	s1 =	rddreg [dreg:$0x1];
	p0 =	sne.s32 s2, $0x0  }
0xad: {  	s3 =	rddreg [dreg:$0x2];
	[bflag:$0x3] =	sbarrier.arrive $0xFFFF;
	s2 =	simm.s32 @!p0 $0x1C07  }
0xae: {  	[timem:s3], [sflag:s2] =	dma.local @!p0 [hbm:s0], s1  }
0xaf: {  	s0 =	simm.s32 @!p0 $0x7  }
0xb0: {  	_ =	swait.ge @!p0 [sflag:s0], s1  }
0xb1: {  	s1 =	ssub.s32 @!p0 $0x0, s1;
	[sflag:s0] =	ssyncset.done @!p0 $0x0  }
0xb2: {  	[sflag:s0] =	ssyncadd.s32 @!p0 s1  }
0xb3: {  	[bflag:$0x3] =	sbarrier.arrive $0xFFFF  }
0xb4: {  	_ =	shalt  }

</sc_bundles>
